<compile_context>
chip_gen: v7x
topology: tpu7x:2x2x1
jax: 0.10.2.dev20260603
libtpu: 0.0.44.dev20260713+nightly
codegen_flags: <defaults>
</compile_context>

<pallas_src>
import functools

import jax
import jax.numpy as jnp
import numpy as np
from jax import lax
from jax.experimental import pallas as pl
from jax.experimental.pallas import tpu as pltpu
from jax.experimental.pallas import tpu_sc as plsc

_N = 10000
_E = 320000

_NC = 2
_NS = 16
_NW = _NC * _NS
_B = 125
_KA = _E // (_NS * _B)
_KB = _E // (_NW * _B)
_RPS = _N // _NS


def _edge_agg(table, ei3, zeros, feature_split):
  mesh = plsc.VectorSubcoreMesh(core_axis_name="c", subcore_axis_name="s")
  k = _KA if feature_split else _KB

  @functools.partial(
      pl.kernel,
      out_type=jax.ShapeDtypeStruct((_N, 32), jnp.float32),
      mesh=mesh,
      compiler_params=pltpu.CompilerParams(use_tc_tiling_on_sc=False),
      scratch_types=[
          pltpu.VMEM((k, _B), jnp.int32),
          pltpu.VMEM((k, _B), jnp.int32),
          pltpu.VMEM((4, _B, 16), jnp.float32),
          pltpu.VMEM_SHARED((_N, 16), jnp.float32),
          pltpu.VMEM_SHARED((_N, 16), jnp.float32),
          pltpu.SemaphoreType.DMA((4,)),
          pltpu.SemaphoreType.DMA((4,)),
      ],
  )
  def agg(table_hbm, ei_hbm, zeros_hbm, out_hbm,
          src_v, dst_v, rows_v, tbl_sh, acc_sh, gsem, ssem):
    c = lax.axis_index("c")
    s = lax.axis_index("s")
    rows = pl.ds(s * _RPS, _RPS)
    widx = s if feature_split else s * _NC + c

    pltpu.sync_copy(zeros_hbm, acc_sh.at[rows])
    if feature_split:
      pltpu.sync_copy(table_hbm.at[rows, pl.ds(16 * c, 16)], tbl_sh.at[rows])
    else:
      pltpu.sync_copy(table_hbm.at[rows], tbl_sh.at[rows])
    pltpu.sync_copy(ei_hbm.at[0, pl.ds(widx * k, k)], src_v)
    pltpu.sync_copy(ei_hbm.at[1, pl.ds(widx * k, k)], dst_v)
    plsc.subcore_barrier()

    def wait_dma(sem_slot, b):
      pltpu.make_async_copy(zeros_hbm.at[pl.ds(0, _B)], rows_v.at[b],
                            sem_slot).wait()

    for b in range(3):
      pltpu.async_copy(tbl_sh.at[src_v.at[b]], rows_v.at[b], gsem.at[b])

    @pl.loop(0, k, step=4)
    def _(j):
      for b in range(4):
        jj = j + b
        wait_dma(gsem.at[b], b)
        pltpu.async_copy(rows_v.at[b], acc_sh.at[dst_v.at[jj]], ssem.at[b],
                         add=True)
        bb = (b + 3) % 4
        ja = jj + 3

        @pl.when(ja < k)
        def _(bb=bb, ja=ja, jj=jj):
          @pl.when(jj >= 1)
          def _():
            wait_dma(ssem.at[bb], bb)
          pltpu.async_copy(tbl_sh.at[src_v.at[ja]], rows_v.at[bb],
                           gsem.at[bb])

    for b in range(4):
      wait_dma(ssem.at[b], b)
    plsc.subcore_barrier()
    pltpu.sync_copy(acc_sh.at[rows], out_hbm.at[rows, pl.ds(16 * c, 16)])

  return agg(table, ei3, zeros)


def _dot(a, b):
  return jnp.dot(a, b, preferred_element_type=jnp.float32)


def _proj(x, w1_blk4):
  def body(x_ref, w_ref, o_ref):
    x4 = jnp.reshape(x_ref[...], (_N // 4, 4 * 128))
    o_ref[...] = _dot(x4, w_ref[...])
  return pl.pallas_call(
      body,
      out_shape=jax.ShapeDtypeStruct((_N // 4, 128), jnp.float32),
  )(x, w1_blk4)


def _mid(z_p, p_p, b1_t4, w2_blk8, b2_t8):
  def body(z_ref, p_ref, b1_ref, w2_ref, b2_ref, o_ref):
    t = jnp.maximum(z_ref[...] + p_ref[...] + b1_ref[...], 0.0)
    t8 = jnp.reshape(t, (_N // 8, 256))
    o_ref[...] = jnp.maximum(_dot(t8, w2_ref[...]) + b2_ref[...], 0.0)
  return pl.pallas_call(
      body,
      out_shape=jax.ShapeDtypeStruct((_N // 8, 128), jnp.float32),
  )(z_p, p_p, b1_t4, w2_blk8, b2_t8)


def _heads(h_p, q_p, sel, w1m_blk8, b1m_t8, w2m_blk8, b2m_t8,
           w1s_blk8, b1s_t8, w2s_blk8, b2s_t8):
  def body(h_ref, q_ref, sel_ref, w1m_ref, b1m_ref, w2m_ref, b2m_ref,
           w1s_ref, b1s_ref, w2s_ref, b2s_ref, mu_ref, ls_ref):
    q8 = jnp.reshape(q_ref[...], (_N // 8, 256))
    u = h_ref[...] + _dot(q8, sel_ref[...])
    tm = jnp.maximum(_dot(u, w1m_ref[...]) + b1m_ref[...], 0.0)
    mu_ref[...] = _dot(tm, w2m_ref[...]) + b2m_ref[...]
    ts = jnp.maximum(_dot(u, w1s_ref[...]) + b1s_ref[...], 0.0)
    ls_ref[...] = _dot(ts, w2s_ref[...]) + b2s_ref[...]
  return pl.pallas_call(
      body,
      out_shape=(
          jax.ShapeDtypeStruct((_N // 8, 128), jnp.float32),
          jax.ShapeDtypeStruct((_N // 8, 128), jnp.float32),
      ),
  )(h_p, q_p, sel, w1m_blk8, b1m_t8, w2m_blk8, b2m_t8,
    w1s_blk8, b1s_t8, w2s_blk8, b2s_t8)


def _blk(w, g):
  return jnp.kron(jnp.eye(g, dtype=jnp.float32), w)


_SEL_L = np.zeros((256, 128), np.float32)
_SEL_R = np.zeros((256, 128), np.float32)
for _q in range(8):
  for _c in range(16):
    _SEL_L[32 * _q + _c, 16 * _q + _c] = 1.0
    _SEL_R[32 * _q + 16 + _c, 16 * _q + _c] = 1.0
_SEL = _SEL_L + _SEL_R


@jax.jit
def kernel(x, edge_index, W1a, b1a, W2a, b2a, W1m, b1m, W2m, b2m,
           W1s, b1s, W2s, b2s):
  ei3 = edge_index.reshape(2, _E // _B, _B)
  zeros = jnp.zeros((_RPS, 16), jnp.float32)

  z_p = _proj(x, _blk(W1a, 4))
  p = _edge_agg(z_p.reshape(_N, 32), ei3, zeros, True)
  h_p = _mid(z_p, p.reshape(_N // 4, 128), jnp.tile(b1a, 4)[None],
             _blk(W2a, 8), jnp.tile(b2a, 8)[None])

  q = _edge_agg(h_p.reshape(_N, 16), ei3, zeros, False)
  mu_p, ls_p = _heads(h_p, q.reshape(_N // 4, 128), jnp.asarray(_SEL),
                      _blk(W1m, 8), jnp.tile(b1m, 8)[None],
                      _blk(W2m, 8), jnp.tile(b2m, 8)[None],
                      _blk(W1s, 8), jnp.tile(b1s, 8)[None],
                      _blk(W2s, 8), jnp.tile(b2s, 8)[None])
  return (mu_p.reshape(_N, 16), ls_p.reshape(_N, 16))

# --- scband reference (transcript-rebuilt; emitter-appended) ---
"""Pipeline reference for scband-ginencoder-32633161515327 (READ-ONLY COPY).

The authoritative reference and input builder live on the scoring server;
editing this copy changes nothing except your own understanding.
"""

import jax, jax.numpy as jnp
import numpy as np

N = 10000
E = 320000
D_IN = 128
D_OUT = 16
D_HID = 2 * D_OUT


def setup_inputs(seed: int = 0) -> dict:
    key = jax.random.key(seed)
    ks = jax.random.split(key, 16)
    x = jax.random.normal(ks[0], (N, D_IN), dtype=jnp.float32)
    edge_index = jax.random.randint(ks[1], (2, E), 0, N, dtype=jnp.int32)
    def lin(k, fan_in, fan_out):
        bound = 1.0 / np.sqrt(fan_in)
        k1, k2 = jax.random.split(k)
        W = jax.random.uniform(k1, (fan_in, fan_out), jnp.float32, -bound, bound)
        b = jax.random.uniform(k2, (fan_out,), jnp.float32, -bound, bound)
        return W, b
    W1a, b1a = lin(ks[2], D_IN, D_HID)
    W2a, b2a = lin(ks[3], D_HID, D_OUT)
    W1m, b1m = lin(ks[4], D_OUT, D_HID)
    W2m, b2m = lin(ks[5], D_HID, D_OUT)
    W1s, b1s = lin(ks[6], D_OUT, D_HID)
    W2s, b2s = lin(ks[7], D_HID, D_OUT)
    return {"x": x, "edge_index": edge_index,
            "W1a": W1a, "b1a": b1a, "W2a": W2a, "b2a": b2a,
            "W1m": W1m, "b1m": b1m, "W2m": W2m, "b2m": b2m,
            "W1s": W1s, "b1s": b1s, "W2s": W2s, "b2s": b2s}


def _gin_conv(x, edge_index, W1, b1, W2, b2, eps=0.0):
    # PyG GINConv: mlp((1+eps)*x + sum_{j in N(i)} x_j), messages flow src->dst
    src = edge_index[0]
    dst = edge_index[1]
    agg = jnp.zeros_like(x).at[dst].add(x[src])
    h = (1.0 + eps) * x + agg
    h = h @ W1 + b1
    h = jax.nn.relu(h)
    return h @ W2 + b2


def reference(x, edge_index, W1a, b1a, W2a, b2a, W1m, b1m, W2m, b2m, W1s, b1s, W2s, b2s):
    h = _gin_conv(x, edge_index, W1a, b1a, W2a, b2a)
    h = jax.nn.relu(h)
    mu = _gin_conv(h, edge_index, W1m, b1m, W2m, b2m)
    logstd = _gin_conv(h, edge_index, W1s, b1s, W2s, b2s)
    return (mu, logstd)

if __name__ == "__main__":
    import jax
    _d = setup_inputs()
    print(jax.jit(kernel)(*tuple(_d.values())))

</pallas_src>

<mosaic_0001>
#map = affine_map<(d0, d1) -> (0, 0)>
#map1 = affine_map<(d0, d1) -> (0, 0, 0)>
module attributes {stable_mosaic.version = 14 : i64} {
  func.func @agg(%arg0: i32, %arg1: i32, %arg2: memref<10000x32xf32, #tpu.memory_space<hbm>>, %arg3: memref<2x2560x125xi32, #tpu.memory_space<hbm>>, %arg4: memref<625x16xf32, #tpu.memory_space<hbm>>, %arg5: memref<10000x32xf32, #tpu.memory_space<hbm>>, %arg6: memref<160x125xi32, #tpu.memory_space<vmem>>, %arg7: memref<160x125xi32, #tpu.memory_space<vmem>>, %arg8: memref<4x125x16xf32, #tpu.memory_space<vmem>>, %arg9: memref<10000x16xf32, #tpu.memory_space<vmem_shared>>, %arg10: memref<10000x16xf32, #tpu.memory_space<vmem_shared>>, %arg11: memref<4x!tpu.dma_semaphore, #tpu.memory_space<semaphore_mem>>, %arg12: memref<4x!tpu.dma_semaphore, #tpu.memory_space<semaphore_mem>>) attributes {dimension_semantics = [#tpu.dimension_semantics<core_parallel>, #tpu.dimension_semantics<subcore_parallel>], iteration_bounds = array<i64: 2, 16>, scalar_prefetch = 0 : i64, scratch_operands = 7 : i64, tpu.core_type = #tpu.core_type<sc_vector_subcore>, window_params = [{transform_indices = #map}, {transform_indices = #map1}, {transform_indices = #map}, {transform_indices = #map}]} {
    %mul3A = arith.constant 625 : i32
    %mul3A_0 = arith.muli %arg1, %mul3A : i32
    "tpu.region"() ({
      %run_scoped3A_130 = tpu.sem_alloc : memref<!tpu.dma_semaphore, #tpu.memory_space<semaphore_mem>>
      %dma_start3A_131 = arith.constant 0 : i32
      %dma_start3A_132 = tpu.memref_slice %arg10[%mul3A_0, %dma_start3A_131] : memref<10000x16xf32, #tpu.memory_space<vmem_shared>> -> memref<625x16xf32, #tpu.memory_space<vmem_shared>>
      tpu.enqueue_dma source(%arg4 : memref<625x16xf32, #tpu.memory_space<hbm>>) target(%dma_start3A_132 : memref<625x16xf32, #tpu.memory_space<vmem_shared>>) target_semaphore(%run_scoped3A_130 : memref<!tpu.dma_semaphore, #tpu.memory_space<semaphore_mem>>)
      %dma_wait3A_133 = arith.constant 0 : i32
      %dma_wait3A_134 = tpu.memref_slice %arg10[%mul3A_0, %dma_wait3A_133] : memref<10000x16xf32, #tpu.memory_space<vmem_shared>> -> memref<625x16xf32, #tpu.memory_space<vmem_shared>>
      tpu.wait_dma2 semaphore(%run_scoped3A_130 : memref<!tpu.dma_semaphore, #tpu.memory_space<semaphore_mem>>) src(%arg4 : memref<625x16xf32, #tpu.memory_space<hbm>>) dst(%dma_wait3A_134 : memref<625x16xf32, #tpu.memory_space<vmem_shared>>)
      tpu.yield
    }) : () -> ()
    %mul3A_1 = arith.constant 16 : i32
    %mul3A_2 = arith.muli %mul3A_1, %arg0 : i32
    "tpu.region"() ({
      %run_scoped3A_130 = tpu.sem_alloc : memref<!tpu.dma_semaphore, #tpu.memory_space<semaphore_mem>>
      %dma_start3A_131 = arith.constant 0 : i32
      %dma_start3A_132 = tpu.memref_slice %arg9[%mul3A_0, %dma_start3A_131] : memref<10000x16xf32, #tpu.memory_space<vmem_shared>> -> memref<625x16xf32, #tpu.memory_space<vmem_shared>>
      %dma_start3A_133 = tpu.memref_slice %arg2[%mul3A_0, %mul3A_2] : memref<10000x32xf32, #tpu.memory_space<hbm>> -> memref<625x16xf32, #tpu.memory_space<hbm>>
      tpu.enqueue_dma source(%dma_start3A_133 : memref<625x16xf32, #tpu.memory_space<hbm>>) target(%dma_start3A_132 : memref<625x16xf32, #tpu.memory_space<vmem_shared>>) target_semaphore(%run_scoped3A_130 : memref<!tpu.dma_semaphore, #tpu.memory_space<semaphore_mem>>)
      %dma_wait3A_134 = arith.constant 0 : i32
      %dma_wait3A_135 = tpu.memref_slice %arg9[%mul3A_0, %dma_wait3A_134] : memref<10000x16xf32, #tpu.memory_space<vmem_shared>> -> memref<625x16xf32, #tpu.memory_space<vmem_shared>>
      %dma_wait3A_136 = tpu.memref_slice %arg2[%mul3A_0, %mul3A_2] : memref<10000x32xf32, #tpu.memory_space<hbm>> -> memref<625x16xf32, #tpu.memory_space<hbm>>
      tpu.wait_dma2 semaphore(%run_scoped3A_130 : memref<!tpu.dma_semaphore, #tpu.memory_space<semaphore_mem>>) src(%dma_wait3A_136 : memref<625x16xf32, #tpu.memory_space<hbm>>) dst(%dma_wait3A_135 : memref<625x16xf32, #tpu.memory_space<vmem_shared>>)
      tpu.yield
    }) : () -> ()
    %mul3A_3 = arith.constant 160 : i32
    %mul3A_4 = arith.muli %arg1, %mul3A_3 : i32
    %run_scoped3A = arith.constant 0 : i32
    "tpu.region"() ({
      %run_scoped3A_130 = tpu.sem_alloc : memref<!tpu.dma_semaphore, #tpu.memory_space<semaphore_mem>>
      %dma_start3A_131 = arith.constant 0 : i32
      %dma_start3A_132 = tpu.memref_slice %arg3[%run_scoped3A, %mul3A_4, %dma_start3A_131] : memref<2x2560x125xi32, #tpu.memory_space<hbm>> -> memref<1x160x125xi32, #tpu.memory_space<hbm>>
      %dma_start3A_133 = tpu.memref_squeeze %dma_start3A_132 : memref<1x160x125xi32, #tpu.memory_space<hbm>> -> memref<160x125xi32, #tpu.memory_space<hbm>>
      %dma_start3A_134 = arith.constant 0 : i32
      %dma_start3A_135 = tpu.memref_slice %arg3[%run_scoped3A, %mul3A_4, %dma_start3A_134] : memref<2x2560x125xi32, #tpu.memory_space<hbm>> -> memref<1x160x125xi32, #tpu.memory_space<hbm>>
      %dma_start3A_136 = tpu.memref_squeeze %dma_start3A_135 : memref<1x160x125xi32, #tpu.memory_space<hbm>> -> memref<160x125xi32, #tpu.memory_space<hbm>>
      tpu.enqueue_dma source(%dma_start3A_136 : memref<160x125xi32, #tpu.memory_space<hbm>>) target(%arg6 : memref<160x125xi32, #tpu.memory_space<vmem>>) target_semaphore(%run_scoped3A_130 : memref<!tpu.dma_semaphore, #tpu.memory_space<semaphore_mem>>)
      %dma_wait3A_137 = arith.constant 0 : i32
      %dma_wait3A_138 = tpu.memref_slice %arg3[%run_scoped3A, %mul3A_4, %dma_wait3A_137] : memref<2x2560x125xi32, #tpu.memory_space<hbm>> -> memref<1x160x125xi32, #tpu.memory_space<hbm>>
      %dma_wait3A_139 = tpu.memref_squeeze %dma_wait3A_138 : memref<1x160x125xi32, #tpu.memory_space<hbm>> -> memref<160x125xi32, #tpu.memory_space<hbm>>
      %dma_wait3A_140 = arith.constant 0 : i32
      %dma_wait3A_141 = tpu.memref_slice %arg3[%run_scoped3A, %mul3A_4, %dma_wait3A_140] : memref<2x2560x125xi32, #tpu.memory_space<hbm>> -> memref<1x160x125xi32, #tpu.memory_space<hbm>>
      %dma_wait3A_142 = tpu.memref_squeeze %dma_wait3A_141 : memref<1x160x125xi32, #tpu.memory_space<hbm>> -> memref<160x125xi32, #tpu.memory_space<hbm>>
      tpu.wait_dma2 semaphore(%run_scoped3A_130 : memref<!tpu.dma_semaphore, #tpu.memory_space<semaphore_mem>>) src(%dma_wait3A_142 : memref<160x125xi32, #tpu.memory_space<hbm>>) dst(%arg6 : memref<160x125xi32, #tpu.memory_space<vmem>>)
      tpu.yield
    }) : () -> ()
    %mul3A_5 = arith.constant 160 : i32
    %mul3A_6 = arith.muli %arg1, %mul3A_5 : i32
    %run_scoped3A_7 = arith.constant 1 : i32
    "tpu.region"() ({
      %run_scoped3A_130 = tpu.sem_alloc : memref<!tpu.dma_semaphore, #tpu.memory_space<semaphore_mem>>
      %dma_start3A_131 = arith.constant 0 : i32
      %dma_start3A_132 = tpu.memref_slice %arg3[%run_scoped3A_7, %mul3A_6, %dma_start3A_131] : memref<2x2560x125xi32, #tpu.memory_space<hbm>> -> memref<1x160x125xi32, #tpu.memory_space<hbm>>
      %dma_start3A_133 = tpu.memref_squeeze %dma_start3A_132 : memref<1x160x125xi32, #tpu.memory_space<hbm>> -> memref<160x125xi32, #tpu.memory_space<hbm>>
      %dma_start3A_134 = arith.constant 0 : i32
      %dma_start3A_135 = tpu.memref_slice %arg3[%run_scoped3A_7, %mul3A_6, %dma_start3A_134] : memref<2x2560x125xi32, #tpu.memory_space<hbm>> -> memref<1x160x125xi32, #tpu.memory_space<hbm>>
      %dma_start3A_136 = tpu.memref_squeeze %dma_start3A_135 : memref<1x160x125xi32, #tpu.memory_space<hbm>> -> memref<160x125xi32, #tpu.memory_space<hbm>>
      tpu.enqueue_dma source(%dma_start3A_136 : memref<160x125xi32, #tpu.memory_space<hbm>>) target(%arg7 : memref<160x125xi32, #tpu.memory_space<vmem>>) target_semaphore(%run_scoped3A_130 : memref<!tpu.dma_semaphore, #tpu.memory_space<semaphore_mem>>)
      %dma_wait3A_137 = arith.constant 0 : i32
      %dma_wait3A_138 = tpu.memref_slice %arg3[%run_scoped3A_7, %mul3A_6, %dma_wait3A_137] : memref<2x2560x125xi32, #tpu.memory_space<hbm>> -> memref<1x160x125xi32, #tpu.memory_space<hbm>>
      %dma_wait3A_139 = tpu.memref_squeeze %dma_wait3A_138 : memref<1x160x125xi32, #tpu.memory_space<hbm>> -> memref<160x125xi32, #tpu.memory_space<hbm>>
      %dma_wait3A_140 = arith.constant 0 : i32
      %dma_wait3A_141 = tpu.memref_slice %arg3[%run_scoped3A_7, %mul3A_6, %dma_wait3A_140] : memref<2x2560x125xi32, #tpu.memory_space<hbm>> -> memref<1x160x125xi32, #tpu.memory_space<hbm>>
      %dma_wait3A_142 = tpu.memref_squeeze %dma_wait3A_141 : memref<1x160x125xi32, #tpu.memory_space<hbm>> -> memref<160x125xi32, #tpu.memory_space<hbm>>
      tpu.wait_dma2 semaphore(%run_scoped3A_130 : memref<!tpu.dma_semaphore, #tpu.memory_space<semaphore_mem>>) src(%dma_wait3A_142 : memref<160x125xi32, #tpu.memory_space<hbm>>) dst(%arg7 : memref<160x125xi32, #tpu.memory_space<vmem>>)
      tpu.yield
    }) : () -> ()
    %barrier3A = arith.constant 0 : index
    tpu.barrier barrier_id(%barrier3A)
    %dma_start3A = arith.constant 0 : i32
    %dma_start3A_8 = arith.constant 0 : i32
    %dma_start3A_9 = arith.constant 0 : i32
    %dma_start3A_10 = arith.constant 0 : i32
    %dma_start3A_11 = arith.constant 0 : i32
    %dma_start3A_12 = tpu.memref_slice %arg8[%dma_start3A_8, %dma_start3A_10, %dma_start3A_11] : memref<4x125x16xf32, #tpu.memory_space<vmem>> -> memref<1x125x16xf32, #tpu.memory_space<vmem>>
    %dma_start3A_13 = tpu.memref_squeeze %dma_start3A_12 : memref<1x125x16xf32, #tpu.memory_space<vmem>> -> memref<125x16xf32, #tpu.memory_space<vmem>>
    %dma_start3A_14 = arith.constant 0 : i32
    %dma_start3A_15 = tpu.memref_slice %arg6[%dma_start3A, %dma_start3A_14] : memref<160x125xi32, #tpu.memory_space<vmem>> -> memref<1x125xi32, #tpu.memory_space<vmem>>
    %dma_start3A_16 = tpu.memref_squeeze %dma_start3A_15 : memref<1x125xi32, #tpu.memory_space<vmem>> -> memref<125xi32, #tpu.memory_space<vmem>>
    %dma_start3A_17 = arith.constant 0 : i32
    %dma_start3A_18 = arith.constant 0 : i32
    %dma_start3A_19 = tpu.memref_slice %arg9[%dma_start3A_17, %dma_start3A_18] : memref<10000x16xf32, #tpu.memory_space<vmem_shared>> -> memref<10000x16xf32, #tpu.memory_space<vmem_shared>>
    %dma_start3A_20 = tpu.memref_slice %arg11[%dma_start3A_9] : memref<4x!tpu.dma_semaphore, #tpu.memory_space<semaphore_mem>> -> memref<1x!tpu.dma_semaphore, #tpu.memory_space<semaphore_mem>>
    %dma_start3A_21 = tpu.memref_squeeze %dma_start3A_20 : memref<1x!tpu.dma_semaphore, #tpu.memory_space<semaphore_mem>> -> memref<!tpu.dma_semaphore, #tpu.memory_space<semaphore_mem>>
    tpu.enqueue_indirect_dma source(%dma_start3A_19 : memref<10000x16xf32, #tpu.memory_space<vmem_shared>>) target(%dma_start3A_13 : memref<125x16xf32, #tpu.memory_space<vmem>>) offsets(%dma_start3A_16 : memref<125xi32, #tpu.memory_space<vmem>>) semaphore(%dma_start3A_21 : memref<!tpu.dma_semaphore, #tpu.memory_space<semaphore_mem>>)
    %dma_start3A_22 = arith.constant 1 : i32
    %dma_start3A_23 = arith.constant 1 : i32
    %dma_start3A_24 = arith.constant 1 : i32
    %dma_start3A_25 = arith.constant 0 : i32
    %dma_start3A_26 = arith.constant 0 : i32
    %dma_start3A_27 = tpu.memref_slice %arg8[%dma_start3A_23, %dma_start3A_25, %dma_start3A_26] : memref<4x125x16xf32, #tpu.memory_space<vmem>> -> memref<1x125x16xf32, #tpu.memory_space<vmem>>
    %dma_start3A_28 = tpu.memref_squeeze %dma_start3A_27 : memref<1x125x16xf32, #tpu.memory_space<vmem>> -> memref<125x16xf32, #tpu.memory_space<vmem>>
    %dma_start3A_29 = arith.constant 0 : i32
    %dma_start3A_30 = tpu.memref_slice %arg6[%dma_start3A_22, %dma_start3A_29] : memref<160x125xi32, #tpu.memory_space<vmem>> -> memref<1x125xi32, #tpu.memory_space<vmem>>
    %dma_start3A_31 = tpu.memref_squeeze %dma_start3A_30 : memref<1x125xi32, #tpu.memory_space<vmem>> -> memref<125xi32, #tpu.memory_space<vmem>>
    %dma_start3A_32 = arith.constant 0 : i32
    %dma_start3A_33 = arith.constant 0 : i32
    %dma_start3A_34 = tpu.memref_slice %arg9[%dma_start3A_32, %dma_start3A_33] : memref<10000x16xf32, #tpu.memory_space<vmem_shared>> -> memref<10000x16xf32, #tpu.memory_space<vmem_shared>>
    %dma_start3A_35 = tpu.memref_slice %arg11[%dma_start3A_24] : memref<4x!tpu.dma_semaphore, #tpu.memory_space<semaphore_mem>> -> memref<1x!tpu.dma_semaphore, #tpu.memory_space<semaphore_mem>>
    %dma_start3A_36 = tpu.memref_squeeze %dma_start3A_35 : memref<1x!tpu.dma_semaphore, #tpu.memory_space<semaphore_mem>> -> memref<!tpu.dma_semaphore, #tpu.memory_space<semaphore_mem>>
    tpu.enqueue_indirect_dma source(%dma_start3A_34 : memref<10000x16xf32, #tpu.memory_space<vmem_shared>>) target(%dma_start3A_28 : memref<125x16xf32, #tpu.memory_space<vmem>>) offsets(%dma_start3A_31 : memref<125xi32, #tpu.memory_space<vmem>>) semaphore(%dma_start3A_36 : memref<!tpu.dma_semaphore, #tpu.memory_space<semaphore_mem>>)
    %dma_start3A_37 = arith.constant 2 : i32
    %dma_start3A_38 = arith.constant 2 : i32
    %dma_start3A_39 = arith.constant 2 : i32
    %dma_start3A_40 = arith.constant 0 : i32
    %dma_start3A_41 = arith.constant 0 : i32
    %dma_start3A_42 = tpu.memref_slice %arg8[%dma_start3A_38, %dma_start3A_40, %dma_start3A_41] : memref<4x125x16xf32, #tpu.memory_space<vmem>> -> memref<1x125x16xf32, #tpu.memory_space<vmem>>
    %dma_start3A_43 = tpu.memref_squeeze %dma_start3A_42 : memref<1x125x16xf32, #tpu.memory_space<vmem>> -> memref<125x16xf32, #tpu.memory_space<vmem>>
    %dma_start3A_44 = arith.constant 0 : i32
    %dma_start3A_45 = tpu.memref_slice %arg6[%dma_start3A_37, %dma_start3A_44] : memref<160x125xi32, #tpu.memory_space<vmem>> -> memref<1x125xi32, #tpu.memory_space<vmem>>
    %dma_start3A_46 = tpu.memref_squeeze %dma_start3A_45 : memref<1x125xi32, #tpu.memory_space<vmem>> -> memref<125xi32, #tpu.memory_space<vmem>>
    %dma_start3A_47 = arith.constant 0 : i32
    %dma_start3A_48 = arith.constant 0 : i32
    %dma_start3A_49 = tpu.memref_slice %arg9[%dma_start3A_47, %dma_start3A_48] : memref<10000x16xf32, #tpu.memory_space<vmem_shared>> -> memref<10000x16xf32, #tpu.memory_space<vmem_shared>>
    %dma_start3A_50 = tpu.memref_slice %arg11[%dma_start3A_39] : memref<4x!tpu.dma_semaphore, #tpu.memory_space<semaphore_mem>> -> memref<1x!tpu.dma_semaphore, #tpu.memory_space<semaphore_mem>>
    %dma_start3A_51 = tpu.memref_squeeze %dma_start3A_50 : memref<1x!tpu.dma_semaphore, #tpu.memory_space<semaphore_mem>> -> memref<!tpu.dma_semaphore, #tpu.memory_space<semaphore_mem>>
    tpu.enqueue_indirect_dma source(%dma_start3A_49 : memref<10000x16xf32, #tpu.memory_space<vmem_shared>>) target(%dma_start3A_43 : memref<125x16xf32, #tpu.memory_space<vmem>>) offsets(%dma_start3A_46 : memref<125xi32, #tpu.memory_space<vmem>>) semaphore(%dma_start3A_51 : memref<!tpu.dma_semaphore, #tpu.memory_space<semaphore_mem>>)
    %scan3A = arith.constant 0 : i32
    %scan3A_52 = arith.constant 40 : i32
    %scan3A_53 = arith.addi %scan3A, %scan3A_52 : i32
    %scan3A_54 = arith.constant 1 : i32
    scf.for %scan3A_130 = %scan3A to %scan3A_53 step %scan3A_54  : i32 {
      %mul3A_131 = arith.constant 4 : i32
      %mul3A_132 = arith.muli %scan3A_130, %mul3A_131 : i32
      %add3A = arith.constant 0 : i32
      %add3A_133 = arith.addi %add3A, %mul3A_132 : i32
      %add3A_134 = arith.constant 0 : i32
      %add3A_135 = arith.addi %add3A_133, %add3A_134 : i32
      %dma_wait3A_136 = arith.constant 0 : i32
      %dma_wait3A_137 = arith.constant 0 : i32
      %dma_wait3A_138 = arith.constant 0 : i32
      %dma_wait3A_139 = arith.constant 0 : i32
      %dma_wait3A_140 = tpu.memref_slice %arg8[%dma_wait3A_136, %dma_wait3A_138, %dma_wait3A_139] : memref<4x125x16xf32, #tpu.memory_space<vmem>> -> memref<1x125x16xf32, #tpu.memory_space<vmem>>
      %dma_wait3A_141 = tpu.memref_squeeze %dma_wait3A_140 : memref<1x125x16xf32, #tpu.memory_space<vmem>> -> memref<125x16xf32, #tpu.memory_space<vmem>>
      %dma_wait3A_142 = arith.constant 0 : i32
      %dma_wait3A_143 = arith.constant 0 : i32
      %dma_wait3A_144 = tpu.memref_slice %arg4[%dma_wait3A_142, %dma_wait3A_143] : memref<625x16xf32, #tpu.memory_space<hbm>> -> memref<125x16xf32, #tpu.memory_space<hbm>>
      %dma_wait3A_145 = tpu.memref_slice %arg11[%dma_wait3A_137] : memref<4x!tpu.dma_semaphore, #tpu.memory_space<semaphore_mem>> -> memref<1x!tpu.dma_semaphore, #tpu.memory_space<semaphore_mem>>
      %dma_wait3A_146 = tpu.memref_squeeze %dma_wait3A_145 : memref<1x!tpu.dma_semaphore, #tpu.memory_space<semaphore_mem>> -> memref<!tpu.dma_semaphore, #tpu.memory_space<semaphore_mem>>
      %dma_wait3A_147 = arith.constant 0 : i32
      %dma_wait3A_148 = arith.constant 0 : i32
      %dma_wait3A_149 = tpu.memref_slice %arg8[%dma_wait3A_136, %dma_wait3A_147, %dma_wait3A_148] : memref<4x125x16xf32, #tpu.memory_space<vmem>> -> memref<1x125x16xf32, #tpu.memory_space<vmem>>
      %dma_wait3A_150 = tpu.memref_squeeze %dma_wait3A_149 : memref<1x125x16xf32, #tpu.memory_space<vmem>> -> memref<125x16xf32, #tpu.memory_space<vmem>>
      %dma_wait3A_151 = arith.constant 0 : i32
      %dma_wait3A_152 = arith.constant 0 : i32
      %dma_wait3A_153 = tpu.memref_slice %arg4[%dma_wait3A_151, %dma_wait3A_152] : memref<625x16xf32, #tpu.memory_space<hbm>> -> memref<125x16xf32, #tpu.memory_space<hbm>>
      tpu.wait_dma2 semaphore(%dma_wait3A_146 : memref<!tpu.dma_semaphore, #tpu.memory_space<semaphore_mem>>) src(%dma_wait3A_153 : memref<125x16xf32, #tpu.memory_space<hbm>>) dst(%dma_wait3A_150 : memref<125x16xf32, #tpu.memory_space<vmem>>)
      %dma_start3A_154 = arith.constant 0 : i32
      %dma_start3A_155 = arith.constant 0 : i32
      %dma_start3A_156 = arith.constant 0 : i32
      %dma_start3A_157 = arith.constant 0 : i32
      %dma_start3A_158 = tpu.memref_slice %arg8[%dma_start3A_154, %dma_start3A_156, %dma_start3A_157] : memref<4x125x16xf32, #tpu.memory_space<vmem>> -> memref<1x125x16xf32, #tpu.memory_space<vmem>>
      %dma_start3A_159 = tpu.memref_squeeze %dma_start3A_158 : memref<1x125x16xf32, #tpu.memory_space<vmem>> -> memref<125x16xf32, #tpu.memory_space<vmem>>
      %dma_start3A_160 = arith.constant 0 : i32
      %dma_start3A_161 = tpu.memref_slice %arg7[%add3A_135, %dma_start3A_160] : memref<160x125xi32, #tpu.memory_space<vmem>> -> memref<1x125xi32, #tpu.memory_space<vmem>>
      %dma_start3A_162 = tpu.memref_squeeze %dma_start3A_161 : memref<1x125xi32, #tpu.memory_space<vmem>> -> memref<125xi32, #tpu.memory_space<vmem>>
      %dma_start3A_163 = arith.constant 0 : i32
      %dma_start3A_164 = arith.constant 0 : i32
      %dma_start3A_165 = tpu.memref_slice %arg10[%dma_start3A_163, %dma_start3A_164] : memref<10000x16xf32, #tpu.memory_space<vmem_shared>> -> memref<10000x16xf32, #tpu.memory_space<vmem_shared>>
      %dma_start3A_166 = tpu.memref_slice %arg12[%dma_start3A_155] : memref<4x!tpu.dma_semaphore, #tpu.memory_space<semaphore_mem>> -> memref<1x!tpu.dma_semaphore, #tpu.memory_space<semaphore_mem>>
      %dma_start3A_167 = tpu.memref_squeeze %dma_start3A_166 : memref<1x!tpu.dma_semaphore, #tpu.memory_space<semaphore_mem>> -> memref<!tpu.dma_semaphore, #tpu.memory_space<semaphore_mem>>
      tpu.enqueue_indirect_dma source(%dma_start3A_159 : memref<125x16xf32, #tpu.memory_space<vmem>>) target(%dma_start3A_165 : memref<10000x16xf32, #tpu.memory_space<vmem_shared>>) offsets(%dma_start3A_162 : memref<125xi32, #tpu.memory_space<vmem>>) semaphore(%dma_start3A_167 : memref<!tpu.dma_semaphore, #tpu.memory_space<semaphore_mem>>) {add = true}
      %add3A_168 = arith.constant 3 : i32
      %add3A_169 = arith.addi %add3A_135, %add3A_168 : i32
      %lt3A = arith.constant 160 : i32
      %lt3A_170 = arith.cmpi slt, %add3A_169, %lt3A : i32
      %convert_element_type3A = arith.extui %lt3A_170 : i1 to i32
      %cond3A = arith.constant 0 : i32
      %cond3A_171 = arith.cmpi ne, %convert_element_type3A, %cond3A : i32
      scf.if %cond3A_171 {
        %ge3A = arith.constant 1 : i32
        %ge3A_295 = arith.cmpi sge, %add3A_135, %ge3A : i32
        %convert_element_type3A_296 = arith.extui %ge3A_295 : i1 to i32
        %cond3A_297 = arith.constant 0 : i32
        %cond3A_298 = arith.cmpi ne, %convert_element_type3A_296, %cond3A_297 : i32
        scf.if %cond3A_298 {
          %dma_wait3A_313 = arith.constant 3 : i32
          %dma_wait3A_314 = arith.constant 3 : i32
          %dma_wait3A_315 = arith.constant 0 : i32
          %dma_wait3A_316 = arith.constant 0 : i32
          %dma_wait3A_317 = tpu.memref_slice %arg8[%dma_wait3A_313, %dma_wait3A_315, %dma_wait3A_316] : memref<4x125x16xf32, #tpu.memory_space<vmem>> -> memref<1x125x16xf32, #tpu.memory_space<vmem>>
          %dma_wait3A_318 = tpu.memref_squeeze %dma_wait3A_317 : memref<1x125x16xf32, #tpu.memory_space<vmem>> -> memref<125x16xf32, #tpu.memory_space<vmem>>
          %dma_wait3A_319 = arith.constant 0 : i32
          %dma_wait3A_320 = arith.constant 0 : i32
          %dma_wait3A_321 = tpu.memref_slice %arg4[%dma_wait3A_319, %dma_wait3A_320] : memref<625x16xf32, #tpu.memory_space<hbm>> -> memref<125x16xf32, #tpu.memory_space<hbm>>
          %dma_wait3A_322 = tpu.memref_slice %arg12[%dma_wait3A_314] : memref<4x!tpu.dma_semaphore, #tpu.memory_space<semaphore_mem>> -> memref<1x!tpu.dma_semaphore, #tpu.memory_space<semaphore_mem>>
          %dma_wait3A_323 = tpu.memref_squeeze %dma_wait3A_322 : memref<1x!tpu.dma_semaphore, #tpu.memory_space<semaphore_mem>> -> memref<!tpu.dma_semaphore, #tpu.memory_space<semaphore_mem>>
          %dma_wait3A_324 = arith.constant 0 : i32
          %dma_wait3A_325 = arith.constant 0 : i32
          %dma_wait3A_326 = tpu.memref_slice %arg8[%dma_wait3A_313, %dma_wait3A_324, %dma_wait3A_325] : memref<4x125x16xf32, #tpu.memory_space<vmem>> -> memref<1x125x16xf32, #tpu.memory_space<vmem>>
          %dma_wait3A_327 = tpu.memref_squeeze %dma_wait3A_326 : memref<1x125x16xf32, #tpu.memory_space<vmem>> -> memref<125x16xf32, #tpu.memory_space<vmem>>
          %dma_wait3A_328 = arith.constant 0 : i32
          %dma_wait3A_329 = arith.constant 0 : i32
          %dma_wait3A_330 = tpu.memref_slice %arg4[%dma_wait3A_328, %dma_wait3A_329] : memref<625x16xf32, #tpu.memory_space<hbm>> -> memref<125x16xf32, #tpu.memory_space<hbm>>
          tpu.wait_dma2 semaphore(%dma_wait3A_323 : memref<!tpu.dma_semaphore, #tpu.memory_space<semaphore_mem>>) src(%dma_wait3A_330 : memref<125x16xf32, #tpu.memory_space<hbm>>) dst(%dma_wait3A_327 : memref<125x16xf32, #tpu.memory_space<vmem>>)
        } else {
        }
        %dma_start3A_299 = arith.constant 3 : i32
        %dma_start3A_300 = arith.constant 3 : i32
        %dma_start3A_301 = arith.constant 0 : i32
        %dma_start3A_302 = arith.constant 0 : i32
        %dma_start3A_303 = tpu.memref_slice %arg8[%dma_start3A_299, %dma_start3A_301, %dma_start3A_302] : memref<4x125x16xf32, #tpu.memory_space<vmem>> -> memref<1x125x16xf32, #tpu.memory_space<vmem>>
        %dma_start3A_304 = tpu.memref_squeeze %dma_start3A_303 : memref<1x125x16xf32, #tpu.memory_space<vmem>> -> memref<125x16xf32, #tpu.memory_space<vmem>>
        %dma_start3A_305 = arith.constant 0 : i32
        %dma_start3A_306 = tpu.memref_slice %arg6[%add3A_169, %dma_start3A_305] : memref<160x125xi32, #tpu.memory_space<vmem>> -> memref<1x125xi32, #tpu.memory_space<vmem>>
        %dma_start3A_307 = tpu.memref_squeeze %dma_start3A_306 : memref<1x125xi32, #tpu.memory_space<vmem>> -> memref<125xi32, #tpu.memory_space<vmem>>
        %dma_start3A_308 = arith.constant 0 : i32
        %dma_start3A_309 = arith.constant 0 : i32
        %dma_start3A_310 = tpu.memref_slice %arg9[%dma_start3A_308, %dma_start3A_309] : memref<10000x16xf32, #tpu.memory_space<vmem_shared>> -> memref<10000x16xf32, #tpu.memory_space<vmem_shared>>
        %dma_start3A_311 = tpu.memref_slice %arg11[%dma_start3A_300] : memref<4x!tpu.dma_semaphore, #tpu.memory_space<semaphore_mem>> -> memref<1x!tpu.dma_semaphore, #tpu.memory_space<semaphore_mem>>
        %dma_start3A_312 = tpu.memref_squeeze %dma_start3A_311 : memref<1x!tpu.dma_semaphore, #tpu.memory_space<semaphore_mem>> -> memref<!tpu.dma_semaphore, #tpu.memory_space<semaphore_mem>>
        tpu.enqueue_indirect_dma source(%dma_start3A_310 : memref<10000x16xf32, #tpu.memory_space<vmem_shared>>) target(%dma_start3A_304 : memref<125x16xf32, #tpu.memory_space<vmem>>) offsets(%dma_start3A_307 : memref<125xi32, #tpu.memory_space<vmem>>) semaphore(%dma_start3A_312 : memref<!tpu.dma_semaphore, #tpu.memory_space<semaphore_mem>>)
      } else {
      }
      %add3A_172 = arith.constant 1 : i32
      %add3A_173 = arith.addi %add3A_133, %add3A_172 : i32
      %dma_wait3A_174 = arith.constant 1 : i32
      %dma_wait3A_175 = arith.constant 1 : i32
      %dma_wait3A_176 = arith.constant 0 : i32
      %dma_wait3A_177 = arith.constant 0 : i32
      %dma_wait3A_178 = tpu.memref_slice %arg8[%dma_wait3A_174, %dma_wait3A_176, %dma_wait3A_177] : memref<4x125x16xf32, #tpu.memory_space<vmem>> -> memref<1x125x16xf32, #tpu.memory_space<vmem>>
      %dma_wait3A_179 = tpu.memref_squeeze %dma_wait3A_178 : memref<1x125x16xf32, #tpu.memory_space<vmem>> -> memref<125x16xf32, #tpu.memory_space<vmem>>
      %dma_wait3A_180 = arith.constant 0 : i32
      %dma_wait3A_181 = arith.constant 0 : i32
      %dma_wait3A_182 = tpu.memref_slice %arg4[%dma_wait3A_180, %dma_wait3A_181] : memref<625x16xf32, #tpu.memory_space<hbm>> -> memref<125x16xf32, #tpu.memory_space<hbm>>
      %dma_wait3A_183 = tpu.memref_slice %arg11[%dma_wait3A_175] : memref<4x!tpu.dma_semaphore, #tpu.memory_space<semaphore_mem>> -> memref<1x!tpu.dma_semaphore, #tpu.memory_space<semaphore_mem>>
      %dma_wait3A_184 = tpu.memref_squeeze %dma_wait3A_183 : memref<1x!tpu.dma_semaphore, #tpu.memory_space<semaphore_mem>> -> memref<!tpu.dma_semaphore, #tpu.memory_space<semaphore_mem>>
      %dma_wait3A_185 = arith.constant 0 : i32
      %dma_wait3A_186 = arith.constant 0 : i32
      %dma_wait3A_187 = tpu.memref_slice %arg8[%dma_wait3A_174, %dma_wait3A_185, %dma_wait3A_186] : memref<4x125x16xf32, #tpu.memory_space<vmem>> -> memref<1x125x16xf32, #tpu.memory_space<vmem>>
      %dma_wait3A_188 = tpu.memref_squeeze %dma_wait3A_187 : memref<1x125x16xf32, #tpu.memory_space<vmem>> -> memref<125x16xf32, #tpu.memory_space<vmem>>
      %dma_wait3A_189 = arith.constant 0 : i32
      %dma_wait3A_190 = arith.constant 0 : i32
      %dma_wait3A_191 = tpu.memref_slice %arg4[%dma_wait3A_189, %dma_wait3A_190] : memref<625x16xf32, #tpu.memory_space<hbm>> -> memref<125x16xf32, #tpu.memory_space<hbm>>
      tpu.wait_dma2 semaphore(%dma_wait3A_184 : memref<!tpu.dma_semaphore, #tpu.memory_space<semaphore_mem>>) src(%dma_wait3A_191 : memref<125x16xf32, #tpu.memory_space<hbm>>) dst(%dma_wait3A_188 : memref<125x16xf32, #tpu.memory_space<vmem>>)
      %dma_start3A_192 = arith.constant 1 : i32
      %dma_start3A_193 = arith.constant 1 : i32
      %dma_start3A_194 = arith.constant 0 : i32
      %dma_start3A_195 = arith.constant 0 : i32
      %dma_start3A_196 = tpu.memref_slice %arg8[%dma_start3A_192, %dma_start3A_194, %dma_start3A_195] : memref<4x125x16xf32, #tpu.memory_space<vmem>> -> memref<1x125x16xf32, #tpu.memory_space<vmem>>
      %dma_start3A_197 = tpu.memref_squeeze %dma_start3A_196 : memref<1x125x16xf32, #tpu.memory_space<vmem>> -> memref<125x16xf32, #tpu.memory_space<vmem>>
      %dma_start3A_198 = arith.constant 0 : i32
      %dma_start3A_199 = tpu.memref_slice %arg7[%add3A_173, %dma_start3A_198] : memref<160x125xi32, #tpu.memory_space<vmem>> -> memref<1x125xi32, #tpu.memory_space<vmem>>
      %dma_start3A_200 = tpu.memref_squeeze %dma_start3A_199 : memref<1x125xi32, #tpu.memory_space<vmem>> -> memref<125xi32, #tpu.memory_space<vmem>>
      %dma_start3A_201 = arith.constant 0 : i32
      %dma_start3A_202 = arith.constant 0 : i32
      %dma_start3A_203 = tpu.memref_slice %arg10[%dma_start3A_201, %dma_start3A_202] : memref<10000x16xf32, #tpu.memory_space<vmem_shared>> -> memref<10000x16xf32, #tpu.memory_space<vmem_shared>>
      %dma_start3A_204 = tpu.memref_slice %arg12[%dma_start3A_193] : memref<4x!tpu.dma_semaphore, #tpu.memory_space<semaphore_mem>> -> memref<1x!tpu.dma_semaphore, #tpu.memory_space<semaphore_mem>>
      %dma_start3A_205 = tpu.memref_squeeze %dma_start3A_204 : memref<1x!tpu.dma_semaphore, #tpu.memory_space<semaphore_mem>> -> memref<!tpu.dma_semaphore, #tpu.memory_space<semaphore_mem>>
      tpu.enqueue_indirect_dma source(%dma_start3A_197 : memref<125x16xf32, #tpu.memory_space<vmem>>) target(%dma_start3A_203 : memref<10000x16xf32, #tpu.memory_space<vmem_shared>>) offsets(%dma_start3A_200 : memref<125xi32, #tpu.memory_space<vmem>>) semaphore(%dma_start3A_205 : memref<!tpu.dma_semaphore, #tpu.memory_space<semaphore_mem>>) {add = true}
      %add3A_206 = arith.constant 3 : i32
      %add3A_207 = arith.addi %add3A_173, %add3A_206 : i32
      %lt3A_208 = arith.constant 160 : i32
      %lt3A_209 = arith.cmpi slt, %add3A_207, %lt3A_208 : i32
      %convert_element_type3A_210 = arith.extui %lt3A_209 : i1 to i32
      %cond3A_211 = arith.constant 0 : i32
      %cond3A_212 = arith.cmpi ne, %convert_element_type3A_210, %cond3A_211 : i32
      scf.if %cond3A_212 {
        %ge3A = arith.constant 1 : i32
        %ge3A_295 = arith.cmpi sge, %add3A_173, %ge3A : i32
        %convert_element_type3A_296 = arith.extui %ge3A_295 : i1 to i32
        %cond3A_297 = arith.constant 0 : i32
        %cond3A_298 = arith.cmpi ne, %convert_element_type3A_296, %cond3A_297 : i32
        scf.if %cond3A_298 {
          %dma_wait3A_313 = arith.constant 0 : i32
          %dma_wait3A_314 = arith.constant 0 : i32
          %dma_wait3A_315 = arith.constant 0 : i32
          %dma_wait3A_316 = arith.constant 0 : i32
          %dma_wait3A_317 = tpu.memref_slice %arg8[%dma_wait3A_313, %dma_wait3A_315, %dma_wait3A_316] : memref<4x125x16xf32, #tpu.memory_space<vmem>> -> memref<1x125x16xf32, #tpu.memory_space<vmem>>
          %dma_wait3A_318 = tpu.memref_squeeze %dma_wait3A_317 : memref<1x125x16xf32, #tpu.memory_space<vmem>> -> memref<125x16xf32, #tpu.memory_space<vmem>>
          %dma_wait3A_319 = arith.constant 0 : i32
          %dma_wait3A_320 = arith.constant 0 : i32
          %dma_wait3A_321 = tpu.memref_slice %arg4[%dma_wait3A_319, %dma_wait3A_320] : memref<625x16xf32, #tpu.memory_space<hbm>> -> memref<125x16xf32, #tpu.memory_space<hbm>>
          %dma_wait3A_322 = tpu.memref_slice %arg12[%dma_wait3A_314] : memref<4x!tpu.dma_semaphore, #tpu.memory_space<semaphore_mem>> -> memref<1x!tpu.dma_semaphore, #tpu.memory_space<semaphore_mem>>
          %dma_wait3A_323 = tpu.memref_squeeze %dma_wait3A_322 : memref<1x!tpu.dma_semaphore, #tpu.memory_space<semaphore_mem>> -> memref<!tpu.dma_semaphore, #tpu.memory_space<semaphore_mem>>
          %dma_wait3A_324 = arith.constant 0 : i32
          %dma_wait3A_325 = arith.constant 0 : i32
          %dma_wait3A_326 = tpu.memref_slice %arg8[%dma_wait3A_313, %dma_wait3A_324, %dma_wait3A_325] : memref<4x125x16xf32, #tpu.memory_space<vmem>> -> memref<1x125x16xf32, #tpu.memory_space<vmem>>
          %dma_wait3A_327 = tpu.memref_squeeze %dma_wait3A_326 : memref<1x125x16xf32, #tpu.memory_space<vmem>> -> memref<125x16xf32, #tpu.memory_space<vmem>>
          %dma_wait3A_328 = arith.constant 0 : i32
          %dma_wait3A_329 = arith.constant 0 : i32
          %dma_wait3A_330 = tpu.memref_slice %arg4[%dma_wait3A_328, %dma_wait3A_329] : memref<625x16xf32, #tpu.memory_space<hbm>> -> memref<125x16xf32, #tpu.memory_space<hbm>>
          tpu.wait_dma2 semaphore(%dma_wait3A_323 : memref<!tpu.dma_semaphore, #tpu.memory_space<semaphore_mem>>) src(%dma_wait3A_330 : memref<125x16xf32, #tpu.memory_space<hbm>>) dst(%dma_wait3A_327 : memref<125x16xf32, #tpu.memory_space<vmem>>)
        } else {
        }
        %dma_start3A_299 = arith.constant 0 : i32
        %dma_start3A_300 = arith.constant 0 : i32
        %dma_start3A_301 = arith.constant 0 : i32
        %dma_start3A_302 = arith.constant 0 : i32
        %dma_start3A_303 = tpu.memref_slice %arg8[%dma_start3A_299, %dma_start3A_301, %dma_start3A_302] : memref<4x125x16xf32, #tpu.memory_space<vmem>> -> memref<1x125x16xf32, #tpu.memory_space<vmem>>
        %dma_start3A_304 = tpu.memref_squeeze %dma_start3A_303 : memref<1x125x16xf32, #tpu.memory_space<vmem>> -> memref<125x16xf32, #tpu.memory_space<vmem>>
        %dma_start3A_305 = arith.constant 0 : i32
        %dma_start3A_306 = tpu.memref_slice %arg6[%add3A_207, %dma_start3A_305] : memref<160x125xi32, #tpu.memory_space<vmem>> -> memref<1x125xi32, #tpu.memory_space<vmem>>
        %dma_start3A_307 = tpu.memref_squeeze %dma_start3A_306 : memref<1x125xi32, #tpu.memory_space<vmem>> -> memref<125xi32, #tpu.memory_space<vmem>>
        %dma_start3A_308 = arith.constant 0 : i32
        %dma_start3A_309 = arith.constant 0 : i32
        %dma_start3A_310 = tpu.memref_slice %arg9[%dma_start3A_308, %dma_start3A_309] : memref<10000x16xf32, #tpu.memory_space<vmem_shared>> -> memref<10000x16xf32, #tpu.memory_space<vmem_shared>>
        %dma_start3A_311 = tpu.memref_slice %arg11[%dma_start3A_300] : memref<4x!tpu.dma_semaphore, #tpu.memory_space<semaphore_mem>> -> memref<1x!tpu.dma_semaphore, #tpu.memory_space<semaphore_mem>>
        %dma_start3A_312 = tpu.memref_squeeze %dma_start3A_311 : memref<1x!tpu.dma_semaphore, #tpu.memory_space<semaphore_mem>> -> memref<!tpu.dma_semaphore, #tpu.memory_space<semaphore_mem>>
        tpu.enqueue_indirect_dma source(%dma_start3A_310 : memref<10000x16xf32, #tpu.memory_space<vmem_shared>>) target(%dma_start3A_304 : memref<125x16xf32, #tpu.memory_space<vmem>>) offsets(%dma_start3A_307 : memref<125xi32, #tpu.memory_space<vmem>>) semaphore(%dma_start3A_312 : memref<!tpu.dma_semaphore, #tpu.memory_space<semaphore_mem>>)
      } else {
      }
      %add3A_213 = arith.constant 2 : i32
      %add3A_214 = arith.addi %add3A_133, %add3A_213 : i32
      %dma_wait3A_215 = arith.constant 2 : i32
      %dma_wait3A_216 = arith.constant 2 : i32
      %dma_wait3A_217 = arith.constant 0 : i32
      %dma_wait3A_218 = arith.constant 0 : i32
      %dma_wait3A_219 = tpu.memref_slice %arg8[%dma_wait3A_215, %dma_wait3A_217, %dma_wait3A_218] : memref<4x125x16xf32, #tpu.memory_space<vmem>> -> memref<1x125x16xf32, #tpu.memory_space<vmem>>
      %dma_wait3A_220 = tpu.memref_squeeze %dma_wait3A_219 : memref<1x125x16xf32, #tpu.memory_space<vmem>> -> memref<125x16xf32, #tpu.memory_space<vmem>>
      %dma_wait3A_221 = arith.constant 0 : i32
      %dma_wait3A_222 = arith.constant 0 : i32
      %dma_wait3A_223 = tpu.memref_slice %arg4[%dma_wait3A_221, %dma_wait3A_222] : memref<625x16xf32, #tpu.memory_space<hbm>> -> memref<125x16xf32, #tpu.memory_space<hbm>>
      %dma_wait3A_224 = tpu.memref_slice %arg11[%dma_wait3A_216] : memref<4x!tpu.dma_semaphore, #tpu.memory_space<semaphore_mem>> -> memref<1x!tpu.dma_semaphore, #tpu.memory_space<semaphore_mem>>
      %dma_wait3A_225 = tpu.memref_squeeze %dma_wait3A_224 : memref<1x!tpu.dma_semaphore, #tpu.memory_space<semaphore_mem>> -> memref<!tpu.dma_semaphore, #tpu.memory_space<semaphore_mem>>
      %dma_wait3A_226 = arith.constant 0 : i32
      %dma_wait3A_227 = arith.constant 0 : i32
      %dma_wait3A_228 = tpu.memref_slice %arg8[%dma_wait3A_215, %dma_wait3A_226, %dma_wait3A_227] : memref<4x125x16xf32, #tpu.memory_space<vmem>> -> memref<1x125x16xf32, #tpu.memory_space<vmem>>
      %dma_wait3A_229 = tpu.memref_squeeze %dma_wait3A_228 : memref<1x125x16xf32, #tpu.memory_space<vmem>> -> memref<125x16xf32, #tpu.memory_space<vmem>>
      %dma_wait3A_230 = arith.constant 0 : i32
      %dma_wait3A_231 = arith.constant 0 : i32
      %dma_wait3A_232 = tpu.memref_slice %arg4[%dma_wait3A_230, %dma_wait3A_231] : memref<625x16xf32, #tpu.memory_space<hbm>> -> memref<125x16xf32, #tpu.memory_space<hbm>>
      tpu.wait_dma2 semaphore(%dma_wait3A_225 : memref<!tpu.dma_semaphore, #tpu.memory_space<semaphore_mem>>) src(%dma_wait3A_232 : memref<125x16xf32, #tpu.memory_space<hbm>>) dst(%dma_wait3A_229 : memref<125x16xf32, #tpu.memory_space<vmem>>)
      %dma_start3A_233 = arith.constant 2 : i32
      %dma_start3A_234 = arith.constant 2 : i32
      %dma_start3A_235 = arith.constant 0 : i32
      %dma_start3A_236 = arith.constant 0 : i32
      %dma_start3A_237 = tpu.memref_slice %arg8[%dma_start3A_233, %dma_start3A_235, %dma_start3A_236] : memref<4x125x16xf32, #tpu.memory_space<vmem>> -> memref<1x125x16xf32, #tpu.memory_space<vmem>>
      %dma_start3A_238 = tpu.memref_squeeze %dma_start3A_237 : memref<1x125x16xf32, #tpu.memory_space<vmem>> -> memref<125x16xf32, #tpu.memory_space<vmem>>
      %dma_start3A_239 = arith.constant 0 : i32
      %dma_start3A_240 = tpu.memref_slice %arg7[%add3A_214, %dma_start3A_239] : memref<160x125xi32, #tpu.memory_space<vmem>> -> memref<1x125xi32, #tpu.memory_space<vmem>>
      %dma_start3A_241 = tpu.memref_squeeze %dma_start3A_240 : memref<1x125xi32, #tpu.memory_space<vmem>> -> memref<125xi32, #tpu.memory_space<vmem>>
      %dma_start3A_242 = arith.constant 0 : i32
      %dma_start3A_243 = arith.constant 0 : i32
      %dma_start3A_244 = tpu.memref_slice %arg10[%dma_start3A_242, %dma_start3A_243] : memref<10000x16xf32, #tpu.memory_space<vmem_shared>> -> memref<10000x16xf32, #tpu.memory_space<vmem_shared>>
      %dma_start3A_245 = tpu.memref_slice %arg12[%dma_start3A_234] : memref<4x!tpu.dma_semaphore, #tpu.memory_space<semaphore_mem>> -> memref<1x!tpu.dma_semaphore, #tpu.memory_space<semaphore_mem>>
      %dma_start3A_246 = tpu.memref_squeeze %dma_start3A_245 : memref<1x!tpu.dma_semaphore, #tpu.memory_space<semaphore_mem>> -> memref<!tpu.dma_semaphore, #tpu.memory_space<semaphore_mem>>
      tpu.enqueue_indirect_dma source(%dma_start3A_238 : memref<125x16xf32, #tpu.memory_space<vmem>>) target(%dma_start3A_244 : memref<10000x16xf32, #tpu.memory_space<vmem_shared>>) offsets(%dma_start3A_241 : memref<125xi32, #tpu.memory_space<vmem>>) semaphore(%dma_start3A_246 : memref<!tpu.dma_semaphore, #tpu.memory_space<semaphore_mem>>) {add = true}
      %add3A_247 = arith.constant 3 : i32
      %add3A_248 = arith.addi %add3A_214, %add3A_247 : i32
      %lt3A_249 = arith.constant 160 : i32
      %lt3A_250 = arith.cmpi slt, %add3A_248, %lt3A_249 : i32
      %convert_element_type3A_251 = arith.extui %lt3A_250 : i1 to i32
      %cond3A_252 = arith.constant 0 : i32
      %cond3A_253 = arith.cmpi ne, %convert_element_type3A_251, %cond3A_252 : i32
      scf.if %cond3A_253 {
        %ge3A = arith.constant 1 : i32
        %ge3A_295 = arith.cmpi sge, %add3A_214, %ge3A : i32
        %convert_element_type3A_296 = arith.extui %ge3A_295 : i1 to i32
        %cond3A_297 = arith.constant 0 : i32
        %cond3A_298 = arith.cmpi ne, %convert_element_type3A_296, %cond3A_297 : i32
        scf.if %cond3A_298 {
          %dma_wait3A_313 = arith.constant 1 : i32
          %dma_wait3A_314 = arith.constant 1 : i32
          %dma_wait3A_315 = arith.constant 0 : i32
          %dma_wait3A_316 = arith.constant 0 : i32
          %dma_wait3A_317 = tpu.memref_slice %arg8[%dma_wait3A_313, %dma_wait3A_315, %dma_wait3A_316] : memref<4x125x16xf32, #tpu.memory_space<vmem>> -> memref<1x125x16xf32, #tpu.memory_space<vmem>>
          %dma_wait3A_318 = tpu.memref_squeeze %dma_wait3A_317 : memref<1x125x16xf32, #tpu.memory_space<vmem>> -> memref<125x16xf32, #tpu.memory_space<vmem>>
          %dma_wait3A_319 = arith.constant 0 : i32
          %dma_wait3A_320 = arith.constant 0 : i32
          %dma_wait3A_321 = tpu.memref_slice %arg4[%dma_wait3A_319, %dma_wait3A_320] : memref<625x16xf32, #tpu.memory_space<hbm>> -> memref<125x16xf32, #tpu.memory_space<hbm>>
          %dma_wait3A_322 = tpu.memref_slice %arg12[%dma_wait3A_314] : memref<4x!tpu.dma_semaphore, #tpu.memory_space<semaphore_mem>> -> memref<1x!tpu.dma_semaphore, #tpu.memory_space<semaphore_mem>>
          %dma_wait3A_323 = tpu.memref_squeeze %dma_wait3A_322 : memref<1x!tpu.dma_semaphore, #tpu.memory_space<semaphore_mem>> -> memref<!tpu.dma_semaphore, #tpu.memory_space<semaphore_mem>>
          %dma_wait3A_324 = arith.constant 0 : i32
          %dma_wait3A_325 = arith.constant 0 : i32
          %dma_wait3A_326 = tpu.memref_slice %arg8[%dma_wait3A_313, %dma_wait3A_324, %dma_wait3A_325] : memref<4x125x16xf32, #tpu.memory_space<vmem>> -> memref<1x125x16xf32, #tpu.memory_space<vmem>>
          %dma_wait3A_327 = tpu.memref_squeeze %dma_wait3A_326 : memref<1x125x16xf32, #tpu.memory_space<vmem>> -> memref<125x16xf32, #tpu.memory_space<vmem>>
          %dma_wait3A_328 = arith.constant 0 : i32
          %dma_wait3A_329 = arith.constant 0 : i32
          %dma_wait3A_330 = tpu.memref_slice %arg4[%dma_wait3A_328, %dma_wait3A_329] : memref<625x16xf32, #tpu.memory_space<hbm>> -> memref<125x16xf32, #tpu.memory_space<hbm>>
          tpu.wait_dma2 semaphore(%dma_wait3A_323 : memref<!tpu.dma_semaphore, #tpu.memory_space<semaphore_mem>>) src(%dma_wait3A_330 : memref<125x16xf32, #tpu.memory_space<hbm>>) dst(%dma_wait3A_327 : memref<125x16xf32, #tpu.memory_space<vmem>>)
        } else {
        }
        %dma_start3A_299 = arith.constant 1 : i32
        %dma_start3A_300 = arith.constant 1 : i32
        %dma_start3A_301 = arith.constant 0 : i32
        %dma_start3A_302 = arith.constant 0 : i32
        %dma_start3A_303 = tpu.memref_slice %arg8[%dma_start3A_299, %dma_start3A_301, %dma_start3A_302] : memref<4x125x16xf32, #tpu.memory_space<vmem>> -> memref<1x125x16xf32, #tpu.memory_space<vmem>>
        %dma_start3A_304 = tpu.memref_squeeze %dma_start3A_303 : memref<1x125x16xf32, #tpu.memory_space<vmem>> -> memref<125x16xf32, #tpu.memory_space<vmem>>
        %dma_start3A_305 = arith.constant 0 : i32
        %dma_start3A_306 = tpu.memref_slice %arg6[%add3A_248, %dma_start3A_305] : memref<160x125xi32, #tpu.memory_space<vmem>> -> memref<1x125xi32, #tpu.memory_space<vmem>>
        %dma_start3A_307 = tpu.memref_squeeze %dma_start3A_306 : memref<1x125xi32, #tpu.memory_space<vmem>> -> memref<125xi32, #tpu.memory_space<vmem>>
        %dma_start3A_308 = arith.constant 0 : i32
        %dma_start3A_309 = arith.constant 0 : i32
        %dma_start3A_310 = tpu.memref_slice %arg9[%dma_start3A_308, %dma_start3A_309] : memref<10000x16xf32, #tpu.memory_space<vmem_shared>> -> memref<10000x16xf32, #tpu.memory_space<vmem_shared>>
        %dma_start3A_311 = tpu.memref_slice %arg11[%dma_start3A_300] : memref<4x!tpu.dma_semaphore, #tpu.memory_space<semaphore_mem>> -> memref<1x!tpu.dma_semaphore, #tpu.memory_space<semaphore_mem>>
        %dma_start3A_312 = tpu.memref_squeeze %dma_start3A_311 : memref<1x!tpu.dma_semaphore, #tpu.memory_space<semaphore_mem>> -> memref<!tpu.dma_semaphore, #tpu.memory_space<semaphore_mem>>
        tpu.enqueue_indirect_dma source(%dma_start3A_310 : memref<10000x16xf32, #tpu.memory_space<vmem_shared>>) target(%dma_start3A_304 : memref<125x16xf32, #tpu.memory_space<vmem>>) offsets(%dma_start3A_307 : memref<125xi32, #tpu.memory_space<vmem>>) semaphore(%dma_start3A_312 : memref<!tpu.dma_semaphore, #tpu.memory_space<semaphore_mem>>)
      } else {
      }
      %add3A_254 = arith.constant 3 : i32
      %add3A_255 = arith.addi %add3A_133, %add3A_254 : i32
      %dma_wait3A_256 = arith.constant 3 : i32
      %dma_wait3A_257 = arith.constant 3 : i32
      %dma_wait3A_258 = arith.constant 0 : i32
      %dma_wait3A_259 = arith.constant 0 : i32
      %dma_wait3A_260 = tpu.memref_slice %arg8[%dma_wait3A_256, %dma_wait3A_258, %dma_wait3A_259] : memref<4x125x16xf32, #tpu.memory_space<vmem>> -> memref<1x125x16xf32, #tpu.memory_space<vmem>>
      %dma_wait3A_261 = tpu.memref_squeeze %dma_wait3A_260 : memref<1x125x16xf32, #tpu.memory_space<vmem>> -> memref<125x16xf32, #tpu.memory_space<vmem>>
      %dma_wait3A_262 = arith.constant 0 : i32
      %dma_wait3A_263 = arith.constant 0 : i32
      %dma_wait3A_264 = tpu.memref_slice %arg4[%dma_wait3A_262, %dma_wait3A_263] : memref<625x16xf32, #tpu.memory_space<hbm>> -> memref<125x16xf32, #tpu.memory_space<hbm>>
      %dma_wait3A_265 = tpu.memref_slice %arg11[%dma_wait3A_257] : memref<4x!tpu.dma_semaphore, #tpu.memory_space<semaphore_mem>> -> memref<1x!tpu.dma_semaphore, #tpu.memory_space<semaphore_mem>>
      %dma_wait3A_266 = tpu.memref_squeeze %dma_wait3A_265 : memref<1x!tpu.dma_semaphore, #tpu.memory_space<semaphore_mem>> -> memref<!tpu.dma_semaphore, #tpu.memory_space<semaphore_mem>>
      %dma_wait3A_267 = arith.constant 0 : i32
      %dma_wait3A_268 = arith.constant 0 : i32
      %dma_wait3A_269 = tpu.memref_slice %arg8[%dma_wait3A_256, %dma_wait3A_267, %dma_wait3A_268] : memref<4x125x16xf32, #tpu.memory_space<vmem>> -> memref<1x125x16xf32, #tpu.memory_space<vmem>>
      %dma_wait3A_270 = tpu.memref_squeeze %dma_wait3A_269 : memref<1x125x16xf32, #tpu.memory_space<vmem>> -> memref<125x16xf32, #tpu.memory_space<vmem>>
      %dma_wait3A_271 = arith.constant 0 : i32
      %dma_wait3A_272 = arith.constant 0 : i32
      %dma_wait3A_273 = tpu.memref_slice %arg4[%dma_wait3A_271, %dma_wait3A_272] : memref<625x16xf32, #tpu.memory_space<hbm>> -> memref<125x16xf32, #tpu.memory_space<hbm>>
      tpu.wait_dma2 semaphore(%dma_wait3A_266 : memref<!tpu.dma_semaphore, #tpu.memory_space<semaphore_mem>>) src(%dma_wait3A_273 : memref<125x16xf32, #tpu.memory_space<hbm>>) dst(%dma_wait3A_270 : memref<125x16xf32, #tpu.memory_space<vmem>>)
      %dma_start3A_274 = arith.constant 3 : i32
      %dma_start3A_275 = arith.constant 3 : i32
      %dma_start3A_276 = arith.constant 0 : i32
      %dma_start3A_277 = arith.constant 0 : i32
      %dma_start3A_278 = tpu.memref_slice %arg8[%dma_start3A_274, %dma_start3A_276, %dma_start3A_277] : memref<4x125x16xf32, #tpu.memory_space<vmem>> -> memref<1x125x16xf32, #tpu.memory_space<vmem>>
      %dma_start3A_279 = tpu.memref_squeeze %dma_start3A_278 : memref<1x125x16xf32, #tpu.memory_space<vmem>> -> memref<125x16xf32, #tpu.memory_space<vmem>>
      %dma_start3A_280 = arith.constant 0 : i32
      %dma_start3A_281 = tpu.memref_slice %arg7[%add3A_255, %dma_start3A_280] : memref<160x125xi32, #tpu.memory_space<vmem>> -> memref<1x125xi32, #tpu.memory_space<vmem>>
      %dma_start3A_282 = tpu.memref_squeeze %dma_start3A_281 : memref<1x125xi32, #tpu.memory_space<vmem>> -> memref<125xi32, #tpu.memory_space<vmem>>
      %dma_start3A_283 = arith.constant 0 : i32
      %dma_start3A_284 = arith.constant 0 : i32
      %dma_start3A_285 = tpu.memref_slice %arg10[%dma_start3A_283, %dma_start3A_284] : memref<10000x16xf32, #tpu.memory_space<vmem_shared>> -> memref<10000x16xf32, #tpu.memory_space<vmem_shared>>
      %dma_start3A_286 = tpu.memref_slice %arg12[%dma_start3A_275] : memref<4x!tpu.dma_semaphore, #tpu.memory_space<semaphore_mem>> -> memref<1x!tpu.dma_semaphore, #tpu.memory_space<semaphore_mem>>
      %dma_start3A_287 = tpu.memref_squeeze %dma_start3A_286 : memref<1x!tpu.dma_semaphore, #tpu.memory_space<semaphore_mem>> -> memref<!tpu.dma_semaphore, #tpu.memory_space<semaphore_mem>>
      tpu.enqueue_indirect_dma source(%dma_start3A_279 : memref<125x16xf32, #tpu.memory_space<vmem>>) target(%dma_start3A_285 : memref<10000x16xf32, #tpu.memory_space<vmem_shared>>) offsets(%dma_start3A_282 : memref<125xi32, #tpu.memory_space<vmem>>) semaphore(%dma_start3A_287 : memref<!tpu.dma_semaphore, #tpu.memory_space<semaphore_mem>>) {add = true}
      %add3A_288 = arith.constant 3 : i32
      %add3A_289 = arith.addi %add3A_255, %add3A_288 : i32
      %lt3A_290 = arith.constant 160 : i32
      %lt3A_291 = arith.cmpi slt, %add3A_289, %lt3A_290 : i32
      %convert_element_type3A_292 = arith.extui %lt3A_291 : i1 to i32
      %cond3A_293 = arith.constant 0 : i32
      %cond3A_294 = arith.cmpi ne, %convert_element_type3A_292, %cond3A_293 : i32
      scf.if %cond3A_294 {
        %ge3A = arith.constant 1 : i32
        %ge3A_295 = arith.cmpi sge, %add3A_255, %ge3A : i32
        %convert_element_type3A_296 = arith.extui %ge3A_295 : i1 to i32
        %cond3A_297 = arith.constant 0 : i32
        %cond3A_298 = arith.cmpi ne, %convert_element_type3A_296, %cond3A_297 : i32
        scf.if %cond3A_298 {
          %dma_wait3A_313 = arith.constant 2 : i32
          %dma_wait3A_314 = arith.constant 2 : i32
          %dma_wait3A_315 = arith.constant 0 : i32
          %dma_wait3A_316 = arith.constant 0 : i32
          %dma_wait3A_317 = tpu.memref_slice %arg8[%dma_wait3A_313, %dma_wait3A_315, %dma_wait3A_316] : memref<4x125x16xf32, #tpu.memory_space<vmem>> -> memref<1x125x16xf32, #tpu.memory_space<vmem>>
          %dma_wait3A_318 = tpu.memref_squeeze %dma_wait3A_317 : memref<1x125x16xf32, #tpu.memory_space<vmem>> -> memref<125x16xf32, #tpu.memory_space<vmem>>
          %dma_wait3A_319 = arith.constant 0 : i32
          %dma_wait3A_320 = arith.constant 0 : i32
          %dma_wait3A_321 = tpu.memref_slice %arg4[%dma_wait3A_319, %dma_wait3A_320] : memref<625x16xf32, #tpu.memory_space<hbm>> -> memref<125x16xf32, #tpu.memory_space<hbm>>
          %dma_wait3A_322 = tpu.memref_slice %arg12[%dma_wait3A_314] : memref<4x!tpu.dma_semaphore, #tpu.memory_space<semaphore_mem>> -> memref<1x!tpu.dma_semaphore, #tpu.memory_space<semaphore_mem>>
          %dma_wait3A_323 = tpu.memref_squeeze %dma_wait3A_322 : memref<1x!tpu.dma_semaphore, #tpu.memory_space<semaphore_mem>> -> memref<!tpu.dma_semaphore, #tpu.memory_space<semaphore_mem>>
          %dma_wait3A_324 = arith.constant 0 : i32
          %dma_wait3A_325 = arith.constant 0 : i32
          %dma_wait3A_326 = tpu.memref_slice %arg8[%dma_wait3A_313, %dma_wait3A_324, %dma_wait3A_325] : memref<4x125x16xf32, #tpu.memory_space<vmem>> -> memref<1x125x16xf32, #tpu.memory_space<vmem>>
          %dma_wait3A_327 = tpu.memref_squeeze %dma_wait3A_326 : memref<1x125x16xf32, #tpu.memory_space<vmem>> -> memref<125x16xf32, #tpu.memory_space<vmem>>
          %dma_wait3A_328 = arith.constant 0 : i32
          %dma_wait3A_329 = arith.constant 0 : i32
          %dma_wait3A_330 = tpu.memref_slice %arg4[%dma_wait3A_328, %dma_wait3A_329] : memref<625x16xf32, #tpu.memory_space<hbm>> -> memref<125x16xf32, #tpu.memory_space<hbm>>
          tpu.wait_dma2 semaphore(%dma_wait3A_323 : memref<!tpu.dma_semaphore, #tpu.memory_space<semaphore_mem>>) src(%dma_wait3A_330 : memref<125x16xf32, #tpu.memory_space<hbm>>) dst(%dma_wait3A_327 : memref<125x16xf32, #tpu.memory_space<vmem>>)
        } else {
        }
        %dma_start3A_299 = arith.constant 2 : i32
        %dma_start3A_300 = arith.constant 2 : i32
        %dma_start3A_301 = arith.constant 0 : i32
        %dma_start3A_302 = arith.constant 0 : i32
        %dma_start3A_303 = tpu.memref_slice %arg8[%dma_start3A_299, %dma_start3A_301, %dma_start3A_302] : memref<4x125x16xf32, #tpu.memory_space<vmem>> -> memref<1x125x16xf32, #tpu.memory_space<vmem>>
        %dma_start3A_304 = tpu.memref_squeeze %dma_start3A_303 : memref<1x125x16xf32, #tpu.memory_space<vmem>> -> memref<125x16xf32, #tpu.memory_space<vmem>>
        %dma_start3A_305 = arith.constant 0 : i32
        %dma_start3A_306 = tpu.memref_slice %arg6[%add3A_289, %dma_start3A_305] : memref<160x125xi32, #tpu.memory_space<vmem>> -> memref<1x125xi32, #tpu.memory_space<vmem>>
        %dma_start3A_307 = tpu.memref_squeeze %dma_start3A_306 : memref<1x125xi32, #tpu.memory_space<vmem>> -> memref<125xi32, #tpu.memory_space<vmem>>
        %dma_start3A_308 = arith.constant 0 : i32
        %dma_start3A_309 = arith.constant 0 : i32
        %dma_start3A_310 = tpu.memref_slice %arg9[%dma_start3A_308, %dma_start3A_309] : memref<10000x16xf32, #tpu.memory_space<vmem_shared>> -> memref<10000x16xf32, #tpu.memory_space<vmem_shared>>
        %dma_start3A_311 = tpu.memref_slice %arg11[%dma_start3A_300] : memref<4x!tpu.dma_semaphore, #tpu.memory_space<semaphore_mem>> -> memref<1x!tpu.dma_semaphore, #tpu.memory_space<semaphore_mem>>
        %dma_start3A_312 = tpu.memref_squeeze %dma_start3A_311 : memref<1x!tpu.dma_semaphore, #tpu.memory_space<semaphore_mem>> -> memref<!tpu.dma_semaphore, #tpu.memory_space<semaphore_mem>>
        tpu.enqueue_indirect_dma source(%dma_start3A_310 : memref<10000x16xf32, #tpu.memory_space<vmem_shared>>) target(%dma_start3A_304 : memref<125x16xf32, #tpu.memory_space<vmem>>) offsets(%dma_start3A_307 : memref<125xi32, #tpu.memory_space<vmem>>) semaphore(%dma_start3A_312 : memref<!tpu.dma_semaphore, #tpu.memory_space<semaphore_mem>>)
      } else {
      }
    }
    %scan3A_55 = arith.constant 40 : i32
    %dma_wait3A = arith.constant 0 : i32
    %dma_wait3A_56 = arith.constant 0 : i32
    %dma_wait3A_57 = arith.constant 0 : i32
    %dma_wait3A_58 = arith.constant 0 : i32
    %dma_wait3A_59 = tpu.memref_slice %arg8[%dma_wait3A, %dma_wait3A_57, %dma_wait3A_58] : memref<4x125x16xf32, #tpu.memory_space<vmem>> -> memref<1x125x16xf32, #tpu.memory_space<vmem>>
    %dma_wait3A_60 = tpu.memref_squeeze %dma_wait3A_59 : memref<1x125x16xf32, #tpu.memory_space<vmem>> -> memref<125x16xf32, #tpu.memory_space<vmem>>
    %dma_wait3A_61 = arith.constant 0 : i32
    %dma_wait3A_62 = arith.constant 0 : i32
    %dma_wait3A_63 = tpu.memref_slice %arg4[%dma_wait3A_61, %dma_wait3A_62] : memref<625x16xf32, #tpu.memory_space<hbm>> -> memref<125x16xf32, #tpu.memory_space<hbm>>
    %dma_wait3A_64 = tpu.memref_slice %arg12[%dma_wait3A_56] : memref<4x!tpu.dma_semaphore, #tpu.memory_space<semaphore_mem>> -> memref<1x!tpu.dma_semaphore, #tpu.memory_space<semaphore_mem>>
    %dma_wait3A_65 = tpu.memref_squeeze %dma_wait3A_64 : memref<1x!tpu.dma_semaphore, #tpu.memory_space<semaphore_mem>> -> memref<!tpu.dma_semaphore, #tpu.memory_space<semaphore_mem>>
    %dma_wait3A_66 = arith.constant 0 : i32
    %dma_wait3A_67 = arith.constant 0 : i32
    %dma_wait3A_68 = tpu.memref_slice %arg8[%dma_wait3A, %dma_wait3A_66, %dma_wait3A_67] : memref<4x125x16xf32, #tpu.memory_space<vmem>> -> memref<1x125x16xf32, #tpu.memory_space<vmem>>
    %dma_wait3A_69 = tpu.memref_squeeze %dma_wait3A_68 : memref<1x125x16xf32, #tpu.memory_space<vmem>> -> memref<125x16xf32, #tpu.memory_space<vmem>>
    %dma_wait3A_70 = arith.constant 0 : i32
    %dma_wait3A_71 = arith.constant 0 : i32
    %dma_wait3A_72 = tpu.memref_slice %arg4[%dma_wait3A_70, %dma_wait3A_71] : memref<625x16xf32, #tpu.memory_space<hbm>> -> memref<125x16xf32, #tpu.memory_space<hbm>>
    tpu.wait_dma2 semaphore(%dma_wait3A_65 : memref<!tpu.dma_semaphore, #tpu.memory_space<semaphore_mem>>) src(%dma_wait3A_72 : memref<125x16xf32, #tpu.memory_space<hbm>>) dst(%dma_wait3A_69 : memref<125x16xf32, #tpu.memory_space<vmem>>)
    %dma_wait3A_73 = arith.constant 1 : i32
    %dma_wait3A_74 = arith.constant 1 : i32
    %dma_wait3A_75 = arith.constant 0 : i32
    %dma_wait3A_76 = arith.constant 0 : i32
    %dma_wait3A_77 = tpu.memref_slice %arg8[%dma_wait3A_73, %dma_wait3A_75, %dma_wait3A_76] : memref<4x125x16xf32, #tpu.memory_space<vmem>> -> memref<1x125x16xf32, #tpu.memory_space<vmem>>
    %dma_wait3A_78 = tpu.memref_squeeze %dma_wait3A_77 : memref<1x125x16xf32, #tpu.memory_space<vmem>> -> memref<125x16xf32, #tpu.memory_space<vmem>>
    %dma_wait3A_79 = arith.constant 0 : i32
    %dma_wait3A_80 = arith.constant 0 : i32
    %dma_wait3A_81 = tpu.memref_slice %arg4[%dma_wait3A_79, %dma_wait3A_80] : memref<625x16xf32, #tpu.memory_space<hbm>> -> memref<125x16xf32, #tpu.memory_space<hbm>>
    %dma_wait3A_82 = tpu.memref_slice %arg12[%dma_wait3A_74] : memref<4x!tpu.dma_semaphore, #tpu.memory_space<semaphore_mem>> -> memref<1x!tpu.dma_semaphore, #tpu.memory_space<semaphore_mem>>
    %dma_wait3A_83 = tpu.memref_squeeze %dma_wait3A_82 : memref<1x!tpu.dma_semaphore, #tpu.memory_space<semaphore_mem>> -> memref<!tpu.dma_semaphore, #tpu.memory_space<semaphore_mem>>
    %dma_wait3A_84 = arith.constant 0 : i32
    %dma_wait3A_85 = arith.constant 0 : i32
    %dma_wait3A_86 = tpu.memref_slice %arg8[%dma_wait3A_73, %dma_wait3A_84, %dma_wait3A_85] : memref<4x125x16xf32, #tpu.memory_space<vmem>> -> memref<1x125x16xf32, #tpu.memory_space<vmem>>
    %dma_wait3A_87 = tpu.memref_squeeze %dma_wait3A_86 : memref<1x125x16xf32, #tpu.memory_space<vmem>> -> memref<125x16xf32, #tpu.memory_space<vmem>>
    %dma_wait3A_88 = arith.constant 0 : i32
    %dma_wait3A_89 = arith.constant 0 : i32
    %dma_wait3A_90 = tpu.memref_slice %arg4[%dma_wait3A_88, %dma_wait3A_89] : memref<625x16xf32, #tpu.memory_space<hbm>> -> memref<125x16xf32, #tpu.memory_space<hbm>>
    tpu.wait_dma2 semaphore(%dma_wait3A_83 : memref<!tpu.dma_semaphore, #tpu.memory_space<semaphore_mem>>) src(%dma_wait3A_90 : memref<125x16xf32, #tpu.memory_space<hbm>>) dst(%dma_wait3A_87 : memref<125x16xf32, #tpu.memory_space<vmem>>)
    %dma_wait3A_91 = arith.constant 2 : i32
    %dma_wait3A_92 = arith.constant 2 : i32
    %dma_wait3A_93 = arith.constant 0 : i32
    %dma_wait3A_94 = arith.constant 0 : i32
    %dma_wait3A_95 = tpu.memref_slice %arg8[%dma_wait3A_91, %dma_wait3A_93, %dma_wait3A_94] : memref<4x125x16xf32, #tpu.memory_space<vmem>> -> memref<1x125x16xf32, #tpu.memory_space<vmem>>
    %dma_wait3A_96 = tpu.memref_squeeze %dma_wait3A_95 : memref<1x125x16xf32, #tpu.memory_space<vmem>> -> memref<125x16xf32, #tpu.memory_space<vmem>>
    %dma_wait3A_97 = arith.constant 0 : i32
    %dma_wait3A_98 = arith.constant 0 : i32
    %dma_wait3A_99 = tpu.memref_slice %arg4[%dma_wait3A_97, %dma_wait3A_98] : memref<625x16xf32, #tpu.memory_space<hbm>> -> memref<125x16xf32, #tpu.memory_space<hbm>>
    %dma_wait3A_100 = tpu.memref_slice %arg12[%dma_wait3A_92] : memref<4x!tpu.dma_semaphore, #tpu.memory_space<semaphore_mem>> -> memref<1x!tpu.dma_semaphore, #tpu.memory_space<semaphore_mem>>
    %dma_wait3A_101 = tpu.memref_squeeze %dma_wait3A_100 : memref<1x!tpu.dma_semaphore, #tpu.memory_space<semaphore_mem>> -> memref<!tpu.dma_semaphore, #tpu.memory_space<semaphore_mem>>
    %dma_wait3A_102 = arith.constant 0 : i32
    %dma_wait3A_103 = arith.constant 0 : i32
    %dma_wait3A_104 = tpu.memref_slice %arg8[%dma_wait3A_91, %dma_wait3A_102, %dma_wait3A_103] : memref<4x125x16xf32, #tpu.memory_space<vmem>> -> memref<1x125x16xf32, #tpu.memory_space<vmem>>
    %dma_wait3A_105 = tpu.memref_squeeze %dma_wait3A_104 : memref<1x125x16xf32, #tpu.memory_space<vmem>> -> memref<125x16xf32, #tpu.memory_space<vmem>>
    %dma_wait3A_106 = arith.constant 0 : i32
    %dma_wait3A_107 = arith.constant 0 : i32
    %dma_wait3A_108 = tpu.memref_slice %arg4[%dma_wait3A_106, %dma_wait3A_107] : memref<625x16xf32, #tpu.memory_space<hbm>> -> memref<125x16xf32, #tpu.memory_space<hbm>>
    tpu.wait_dma2 semaphore(%dma_wait3A_101 : memref<!tpu.dma_semaphore, #tpu.memory_space<semaphore_mem>>) src(%dma_wait3A_108 : memref<125x16xf32, #tpu.memory_space<hbm>>) dst(%dma_wait3A_105 : memref<125x16xf32, #tpu.memory_space<vmem>>)
    %dma_wait3A_109 = arith.constant 3 : i32
    %dma_wait3A_110 = arith.constant 3 : i32
    %dma_wait3A_111 = arith.constant 0 : i32
    %dma_wait3A_112 = arith.constant 0 : i32
    %dma_wait3A_113 = tpu.memref_slice %arg8[%dma_wait3A_109, %dma_wait3A_111, %dma_wait3A_112] : memref<4x125x16xf32, #tpu.memory_space<vmem>> -> memref<1x125x16xf32, #tpu.memory_space<vmem>>
    %dma_wait3A_114 = tpu.memref_squeeze %dma_wait3A_113 : memref<1x125x16xf32, #tpu.memory_space<vmem>> -> memref<125x16xf32, #tpu.memory_space<vmem>>
    %dma_wait3A_115 = arith.constant 0 : i32
    %dma_wait3A_116 = arith.constant 0 : i32
    %dma_wait3A_117 = tpu.memref_slice %arg4[%dma_wait3A_115, %dma_wait3A_116] : memref<625x16xf32, #tpu.memory_space<hbm>> -> memref<125x16xf32, #tpu.memory_space<hbm>>
    %dma_wait3A_118 = tpu.memref_slice %arg12[%dma_wait3A_110] : memref<4x!tpu.dma_semaphore, #tpu.memory_space<semaphore_mem>> -> memref<1x!tpu.dma_semaphore, #tpu.memory_space<semaphore_mem>>
    %dma_wait3A_119 = tpu.memref_squeeze %dma_wait3A_118 : memref<1x!tpu.dma_semaphore, #tpu.memory_space<semaphore_mem>> -> memref<!tpu.dma_semaphore, #tpu.memory_space<semaphore_mem>>
    %dma_wait3A_120 = arith.constant 0 : i32
    %dma_wait3A_121 = arith.constant 0 : i32
    %dma_wait3A_122 = tpu.memref_slice %arg8[%dma_wait3A_109, %dma_wait3A_120, %dma_wait3A_121] : memref<4x125x16xf32, #tpu.memory_space<vmem>> -> memref<1x125x16xf32, #tpu.memory_space<vmem>>
    %dma_wait3A_123 = tpu.memref_squeeze %dma_wait3A_122 : memref<1x125x16xf32, #tpu.memory_space<vmem>> -> memref<125x16xf32, #tpu.memory_space<vmem>>
    %dma_wait3A_124 = arith.constant 0 : i32
    %dma_wait3A_125 = arith.constant 0 : i32
    %dma_wait3A_126 = tpu.memref_slice %arg4[%dma_wait3A_124, %dma_wait3A_125] : memref<625x16xf32, #tpu.memory_space<hbm>> -> memref<125x16xf32, #tpu.memory_space<hbm>>
    tpu.wait_dma2 semaphore(%dma_wait3A_119 : memref<!tpu.dma_semaphore, #tpu.memory_space<semaphore_mem>>) src(%dma_wait3A_126 : memref<125x16xf32, #tpu.memory_space<hbm>>) dst(%dma_wait3A_123 : memref<125x16xf32, #tpu.memory_space<vmem>>)
    %barrier3A_127 = arith.constant 0 : index
    tpu.barrier barrier_id(%barrier3A_127)
    %mul3A_128 = arith.constant 16 : i32
    %mul3A_129 = arith.muli %mul3A_128, %arg0 : i32
    "tpu.region"() ({
      %run_scoped3A_130 = tpu.sem_alloc : memref<!tpu.dma_semaphore, #tpu.memory_space<semaphore_mem>>
      %dma_start3A_131 = tpu.memref_slice %arg5[%mul3A_0, %mul3A_129] : memref<10000x32xf32, #tpu.memory_space<hbm>> -> memref<625x16xf32, #tpu.memory_space<hbm>>
      %dma_start3A_132 = arith.constant 0 : i32
      %dma_start3A_133 = tpu.memref_slice %arg10[%mul3A_0, %dma_start3A_132] : memref<10000x16xf32, #tpu.memory_space<vmem_shared>> -> memref<625x16xf32, #tpu.memory_space<vmem_shared>>
      tpu.enqueue_dma source(%dma_start3A_133 : memref<625x16xf32, #tpu.memory_space<vmem_shared>>) target(%dma_start3A_131 : memref<625x16xf32, #tpu.memory_space<hbm>>) target_semaphore(%run_scoped3A_130 : memref<!tpu.dma_semaphore, #tpu.memory_space<semaphore_mem>>)
      %dma_wait3A_134 = tpu.memref_slice %arg5[%mul3A_0, %mul3A_129] : memref<10000x32xf32, #tpu.memory_space<hbm>> -> memref<625x16xf32, #tpu.memory_space<hbm>>
      %dma_wait3A_135 = arith.constant 0 : i32
      %dma_wait3A_136 = tpu.memref_slice %arg10[%mul3A_0, %dma_wait3A_135] : memref<10000x16xf32, #tpu.memory_space<vmem_shared>> -> memref<625x16xf32, #tpu.memory_space<vmem_shared>>
      tpu.wait_dma2 semaphore(%run_scoped3A_130 : memref<!tpu.dma_semaphore, #tpu.memory_space<semaphore_mem>>) src(%dma_wait3A_136 : memref<625x16xf32, #tpu.memory_space<vmem_shared>>) dst(%dma_wait3A_134 : memref<625x16xf32, #tpu.memory_space<hbm>>)
      tpu.yield
    }) : () -> ()
    return
  }
}

#map = affine_map<(d0, d1) -> (0, 0)>
#map1 = affine_map<(d0, d1) -> (0, 0, 0)>
module attributes {stable_mosaic.version = 14 : i64} {
  func.func @agg(%arg0: i32, %arg1: i32, %arg2: memref<10000x16xf32, #tpu.memory_space<hbm>>, %arg3: memref<2x2560x125xi32, #tpu.memory_space<hbm>>, %arg4: memref<625x16xf32, #tpu.memory_space<hbm>>, %arg5: memref<10000x32xf32, #tpu.memory_space<hbm>>, %arg6: memref<80x125xi32, #tpu.memory_space<vmem>>, %arg7: memref<80x125xi32, #tpu.memory_space<vmem>>, %arg8: memref<4x125x16xf32, #tpu.memory_space<vmem>>, %arg9: memref<10000x16xf32, #tpu.memory_space<vmem_shared>>, %arg10: memref<10000x16xf32, #tpu.memory_space<vmem_shared>>, %arg11: memref<4x!tpu.dma_semaphore, #tpu.memory_space<semaphore_mem>>, %arg12: memref<4x!tpu.dma_semaphore, #tpu.memory_space<semaphore_mem>>) attributes {dimension_semantics = [#tpu.dimension_semantics<core_parallel>, #tpu.dimension_semantics<subcore_parallel>], iteration_bounds = array<i64: 2, 16>, scalar_prefetch = 0 : i64, scratch_operands = 7 : i64, tpu.core_type = #tpu.core_type<sc_vector_subcore>, window_params = [{transform_indices = #map}, {transform_indices = #map1}, {transform_indices = #map}, {transform_indices = #map}]} {
    %mul3A = arith.constant 625 : i32
    %mul3A_0 = arith.muli %arg1, %mul3A : i32
    %mul3A_1 = arith.constant 2 : i32
    %mul3A_2 = arith.muli %arg1, %mul3A_1 : i32
    %add3A = arith.addi %mul3A_2, %arg0 : i32
    "tpu.region"() ({
      %run_scoped3A_130 = tpu.sem_alloc : memref<!tpu.dma_semaphore, #tpu.memory_space<semaphore_mem>>
      %dma_start3A_131 = arith.constant 0 : i32
      %dma_start3A_132 = tpu.memref_slice %arg10[%mul3A_0, %dma_start3A_131] : memref<10000x16xf32, #tpu.memory_space<vmem_shared>> -> memref<625x16xf32, #tpu.memory_space<vmem_shared>>
      tpu.enqueue_dma source(%arg4 : memref<625x16xf32, #tpu.memory_space<hbm>>) target(%dma_start3A_132 : memref<625x16xf32, #tpu.memory_space<vmem_shared>>) target_semaphore(%run_scoped3A_130 : memref<!tpu.dma_semaphore, #tpu.memory_space<semaphore_mem>>)
      %dma_wait3A_133 = arith.constant 0 : i32
      %dma_wait3A_134 = tpu.memref_slice %arg10[%mul3A_0, %dma_wait3A_133] : memref<10000x16xf32, #tpu.memory_space<vmem_shared>> -> memref<625x16xf32, #tpu.memory_space<vmem_shared>>
      tpu.wait_dma2 semaphore(%run_scoped3A_130 : memref<!tpu.dma_semaphore, #tpu.memory_space<semaphore_mem>>) src(%arg4 : memref<625x16xf32, #tpu.memory_space<hbm>>) dst(%dma_wait3A_134 : memref<625x16xf32, #tpu.memory_space<vmem_shared>>)
      tpu.yield
    }) : () -> ()
    "tpu.region"() ({
      %run_scoped3A_130 = tpu.sem_alloc : memref<!tpu.dma_semaphore, #tpu.memory_space<semaphore_mem>>
      %dma_start3A_131 = arith.constant 0 : i32
      %dma_start3A_132 = tpu.memref_slice %arg9[%mul3A_0, %dma_start3A_131] : memref<10000x16xf32, #tpu.memory_space<vmem_shared>> -> memref<625x16xf32, #tpu.memory_space<vmem_shared>>
      %dma_start3A_133 = arith.constant 0 : i32
      %dma_start3A_134 = tpu.memref_slice %arg2[%mul3A_0, %dma_start3A_133] : memref<10000x16xf32, #tpu.memory_space<hbm>> -> memref<625x16xf32, #tpu.memory_space<hbm>>
      tpu.enqueue_dma source(%dma_start3A_134 : memref<625x16xf32, #tpu.memory_space<hbm>>) target(%dma_start3A_132 : memref<625x16xf32, #tpu.memory_space<vmem_shared>>) target_semaphore(%run_scoped3A_130 : memref<!tpu.dma_semaphore, #tpu.memory_space<semaphore_mem>>)
      %dma_wait3A_135 = arith.constant 0 : i32
      %dma_wait3A_136 = tpu.memref_slice %arg9[%mul3A_0, %dma_wait3A_135] : memref<10000x16xf32, #tpu.memory_space<vmem_shared>> -> memref<625x16xf32, #tpu.memory_space<vmem_shared>>
      %dma_wait3A_137 = arith.constant 0 : i32
      %dma_wait3A_138 = tpu.memref_slice %arg2[%mul3A_0, %dma_wait3A_137] : memref<10000x16xf32, #tpu.memory_space<hbm>> -> memref<625x16xf32, #tpu.memory_space<hbm>>
      tpu.wait_dma2 semaphore(%run_scoped3A_130 : memref<!tpu.dma_semaphore, #tpu.memory_space<semaphore_mem>>) src(%dma_wait3A_138 : memref<625x16xf32, #tpu.memory_space<hbm>>) dst(%dma_wait3A_136 : memref<625x16xf32, #tpu.memory_space<vmem_shared>>)
      tpu.yield
    }) : () -> ()
    %mul3A_3 = arith.constant 80 : i32
    %mul3A_4 = arith.muli %add3A, %mul3A_3 : i32
    %run_scoped3A = arith.constant 0 : i32
    "tpu.region"() ({
      %run_scoped3A_130 = tpu.sem_alloc : memref<!tpu.dma_semaphore, #tpu.memory_space<semaphore_mem>>
      %dma_start3A_131 = arith.constant 0 : i32
      %dma_start3A_132 = tpu.memref_slice %arg3[%run_scoped3A, %mul3A_4, %dma_start3A_131] : memref<2x2560x125xi32, #tpu.memory_space<hbm>> -> memref<1x80x125xi32, #tpu.memory_space<hbm>>
      %dma_start3A_133 = tpu.memref_squeeze %dma_start3A_132 : memref<1x80x125xi32, #tpu.memory_space<hbm>> -> memref<80x125xi32, #tpu.memory_space<hbm>>
      %dma_start3A_134 = arith.constant 0 : i32
      %dma_start3A_135 = tpu.memref_slice %arg3[%run_scoped3A, %mul3A_4, %dma_start3A_134] : memref<2x2560x125xi32, #tpu.memory_space<hbm>> -> memref<1x80x125xi32, #tpu.memory_space<hbm>>
      %dma_start3A_136 = tpu.memref_squeeze %dma_start3A_135 : memref<1x80x125xi32, #tpu.memory_space<hbm>> -> memref<80x125xi32, #tpu.memory_space<hbm>>
      tpu.enqueue_dma source(%dma_start3A_136 : memref<80x125xi32, #tpu.memory_space<hbm>>) target(%arg6 : memref<80x125xi32, #tpu.memory_space<vmem>>) target_semaphore(%run_scoped3A_130 : memref<!tpu.dma_semaphore, #tpu.memory_space<semaphore_mem>>)
      %dma_wait3A_137 = arith.constant 0 : i32
      %dma_wait3A_138 = tpu.memref_slice %arg3[%run_scoped3A, %mul3A_4, %dma_wait3A_137] : memref<2x2560x125xi32, #tpu.memory_space<hbm>> -> memref<1x80x125xi32, #tpu.memory_space<hbm>>
      %dma_wait3A_139 = tpu.memref_squeeze %dma_wait3A_138 : memref<1x80x125xi32, #tpu.memory_space<hbm>> -> memref<80x125xi32, #tpu.memory_space<hbm>>
      %dma_wait3A_140 = arith.constant 0 : i32
      %dma_wait3A_141 = tpu.memref_slice %arg3[%run_scoped3A, %mul3A_4, %dma_wait3A_140] : memref<2x2560x125xi32, #tpu.memory_space<hbm>> -> memref<1x80x125xi32, #tpu.memory_space<hbm>>
      %dma_wait3A_142 = tpu.memref_squeeze %dma_wait3A_141 : memref<1x80x125xi32, #tpu.memory_space<hbm>> -> memref<80x125xi32, #tpu.memory_space<hbm>>
      tpu.wait_dma2 semaphore(%run_scoped3A_130 : memref<!tpu.dma_semaphore, #tpu.memory_space<semaphore_mem>>) src(%dma_wait3A_142 : memref<80x125xi32, #tpu.memory_space<hbm>>) dst(%arg6 : memref<80x125xi32, #tpu.memory_space<vmem>>)
      tpu.yield
    }) : () -> ()
    %mul3A_5 = arith.constant 80 : i32
    %mul3A_6 = arith.muli %add3A, %mul3A_5 : i32
    %run_scoped3A_7 = arith.constant 1 : i32
    "tpu.region"() ({
      %run_scoped3A_130 = tpu.sem_alloc : memref<!tpu.dma_semaphore, #tpu.memory_space<semaphore_mem>>
      %dma_start3A_131 = arith.constant 0 : i32
      %dma_start3A_132 = tpu.memref_slice %arg3[%run_scoped3A_7, %mul3A_6, %dma_start3A_131] : memref<2x2560x125xi32, #tpu.memory_space<hbm>> -> memref<1x80x125xi32, #tpu.memory_space<hbm>>
      %dma_start3A_133 = tpu.memref_squeeze %dma_start3A_132 : memref<1x80x125xi32, #tpu.memory_space<hbm>> -> memref<80x125xi32, #tpu.memory_space<hbm>>
      %dma_start3A_134 = arith.constant 0 : i32
      %dma_start3A_135 = tpu.memref_slice %arg3[%run_scoped3A_7, %mul3A_6, %dma_start3A_134] : memref<2x2560x125xi32, #tpu.memory_space<hbm>> -> memref<1x80x125xi32, #tpu.memory_space<hbm>>
      %dma_start3A_136 = tpu.memref_squeeze %dma_start3A_135 : memref<1x80x125xi32, #tpu.memory_space<hbm>> -> memref<80x125xi32, #tpu.memory_space<hbm>>
      tpu.enqueue_dma source(%dma_start3A_136 : memref<80x125xi32, #tpu.memory_space<hbm>>) target(%arg7 : memref<80x125xi32, #tpu.memory_space<vmem>>) target_semaphore(%run_scoped3A_130 : memref<!tpu.dma_semaphore, #tpu.memory_space<semaphore_mem>>)
      %dma_wait3A_137 = arith.constant 0 : i32
      %dma_wait3A_138 = tpu.memref_slice %arg3[%run_scoped3A_7, %mul3A_6, %dma_wait3A_137] : memref<2x2560x125xi32, #tpu.memory_space<hbm>> -> memref<1x80x125xi32, #tpu.memory_space<hbm>>
      %dma_wait3A_139 = tpu.memref_squeeze %dma_wait3A_138 : memref<1x80x125xi32, #tpu.memory_space<hbm>> -> memref<80x125xi32, #tpu.memory_space<hbm>>
      %dma_wait3A_140 = arith.constant 0 : i32
      %dma_wait3A_141 = tpu.memref_slice %arg3[%run_scoped3A_7, %mul3A_6, %dma_wait3A_140] : memref<2x2560x125xi32, #tpu.memory_space<hbm>> -> memref<1x80x125xi32, #tpu.memory_space<hbm>>
      %dma_wait3A_142 = tpu.memref_squeeze %dma_wait3A_141 : memref<1x80x125xi32, #tpu.memory_space<hbm>> -> memref<80x125xi32, #tpu.memory_space<hbm>>
      tpu.wait_dma2 semaphore(%run_scoped3A_130 : memref<!tpu.dma_semaphore, #tpu.memory_space<semaphore_mem>>) src(%dma_wait3A_142 : memref<80x125xi32, #tpu.memory_space<hbm>>) dst(%arg7 : memref<80x125xi32, #tpu.memory_space<vmem>>)
      tpu.yield
    }) : () -> ()
    %barrier3A = arith.constant 0 : index
    tpu.barrier barrier_id(%barrier3A)
    %dma_start3A = arith.constant 0 : i32
    %dma_start3A_8 = arith.constant 0 : i32
    %dma_start3A_9 = arith.constant 0 : i32
    %dma_start3A_10 = arith.constant 0 : i32
    %dma_start3A_11 = arith.constant 0 : i32
    %dma_start3A_12 = tpu.memref_slice %arg8[%dma_start3A_8, %dma_start3A_10, %dma_start3A_11] : memref<4x125x16xf32, #tpu.memory_space<vmem>> -> memref<1x125x16xf32, #tpu.memory_space<vmem>>
    %dma_start3A_13 = tpu.memref_squeeze %dma_start3A_12 : memref<1x125x16xf32, #tpu.memory_space<vmem>> -> memref<125x16xf32, #tpu.memory_space<vmem>>
    %dma_start3A_14 = arith.constant 0 : i32
    %dma_start3A_15 = tpu.memref_slice %arg6[%dma_start3A, %dma_start3A_14] : memref<80x125xi32, #tpu.memory_space<vmem>> -> memref<1x125xi32, #tpu.memory_space<vmem>>
    %dma_start3A_16 = tpu.memref_squeeze %dma_start3A_15 : memref<1x125xi32, #tpu.memory_space<vmem>> -> memref<125xi32, #tpu.memory_space<vmem>>
    %dma_start3A_17 = arith.constant 0 : i32
    %dma_start3A_18 = arith.constant 0 : i32
    %dma_start3A_19 = tpu.memref_slice %arg9[%dma_start3A_17, %dma_start3A_18] : memref<10000x16xf32, #tpu.memory_space<vmem_shared>> -> memref<10000x16xf32, #tpu.memory_space<vmem_shared>>
    %dma_start3A_20 = tpu.memref_slice %arg11[%dma_start3A_9] : memref<4x!tpu.dma_semaphore, #tpu.memory_space<semaphore_mem>> -> memref<1x!tpu.dma_semaphore, #tpu.memory_space<semaphore_mem>>
    %dma_start3A_21 = tpu.memref_squeeze %dma_start3A_20 : memref<1x!tpu.dma_semaphore, #tpu.memory_space<semaphore_mem>> -> memref<!tpu.dma_semaphore, #tpu.memory_space<semaphore_mem>>
    tpu.enqueue_indirect_dma source(%dma_start3A_19 : memref<10000x16xf32, #tpu.memory_space<vmem_shared>>) target(%dma_start3A_13 : memref<125x16xf32, #tpu.memory_space<vmem>>) offsets(%dma_start3A_16 : memref<125xi32, #tpu.memory_space<vmem>>) semaphore(%dma_start3A_21 : memref<!tpu.dma_semaphore, #tpu.memory_space<semaphore_mem>>)
    %dma_start3A_22 = arith.constant 1 : i32
    %dma_start3A_23 = arith.constant 1 : i32
    %dma_start3A_24 = arith.constant 1 : i32
    %dma_start3A_25 = arith.constant 0 : i32
    %dma_start3A_26 = arith.constant 0 : i32
    %dma_start3A_27 = tpu.memref_slice %arg8[%dma_start3A_23, %dma_start3A_25, %dma_start3A_26] : memref<4x125x16xf32, #tpu.memory_space<vmem>> -> memref<1x125x16xf32, #tpu.memory_space<vmem>>
    %dma_start3A_28 = tpu.memref_squeeze %dma_start3A_27 : memref<1x125x16xf32, #tpu.memory_space<vmem>> -> memref<125x16xf32, #tpu.memory_space<vmem>>
    %dma_start3A_29 = arith.constant 0 : i32
    %dma_start3A_30 = tpu.memref_slice %arg6[%dma_start3A_22, %dma_start3A_29] : memref<80x125xi32, #tpu.memory_space<vmem>> -> memref<1x125xi32, #tpu.memory_space<vmem>>
    %dma_start3A_31 = tpu.memref_squeeze %dma_start3A_30 : memref<1x125xi32, #tpu.memory_space<vmem>> -> memref<125xi32, #tpu.memory_space<vmem>>
    %dma_start3A_32 = arith.constant 0 : i32
    %dma_start3A_33 = arith.constant 0 : i32
    %dma_start3A_34 = tpu.memref_slice %arg9[%dma_start3A_32, %dma_start3A_33] : memref<10000x16xf32, #tpu.memory_space<vmem_shared>> -> memref<10000x16xf32, #tpu.memory_space<vmem_shared>>
    %dma_start3A_35 = tpu.memref_slice %arg11[%dma_start3A_24] : memref<4x!tpu.dma_semaphore, #tpu.memory_space<semaphore_mem>> -> memref<1x!tpu.dma_semaphore, #tpu.memory_space<semaphore_mem>>
    %dma_start3A_36 = tpu.memref_squeeze %dma_start3A_35 : memref<1x!tpu.dma_semaphore, #tpu.memory_space<semaphore_mem>> -> memref<!tpu.dma_semaphore, #tpu.memory_space<semaphore_mem>>
    tpu.enqueue_indirect_dma source(%dma_start3A_34 : memref<10000x16xf32, #tpu.memory_space<vmem_shared>>) target(%dma_start3A_28 : memref<125x16xf32, #tpu.memory_space<vmem>>) offsets(%dma_start3A_31 : memref<125xi32, #tpu.memory_space<vmem>>) semaphore(%dma_start3A_36 : memref<!tpu.dma_semaphore, #tpu.memory_space<semaphore_mem>>)
    %dma_start3A_37 = arith.constant 2 : i32
    %dma_start3A_38 = arith.constant 2 : i32
    %dma_start3A_39 = arith.constant 2 : i32
    %dma_start3A_40 = arith.constant 0 : i32
    %dma_start3A_41 = arith.constant 0 : i32
    %dma_start3A_42 = tpu.memref_slice %arg8[%dma_start3A_38, %dma_start3A_40, %dma_start3A_41] : memref<4x125x16xf32, #tpu.memory_space<vmem>> -> memref<1x125x16xf32, #tpu.memory_space<vmem>>
    %dma_start3A_43 = tpu.memref_squeeze %dma_start3A_42 : memref<1x125x16xf32, #tpu.memory_space<vmem>> -> memref<125x16xf32, #tpu.memory_space<vmem>>
    %dma_start3A_44 = arith.constant 0 : i32
    %dma_start3A_45 = tpu.memref_slice %arg6[%dma_start3A_37, %dma_start3A_44] : memref<80x125xi32, #tpu.memory_space<vmem>> -> memref<1x125xi32, #tpu.memory_space<vmem>>
    %dma_start3A_46 = tpu.memref_squeeze %dma_start3A_45 : memref<1x125xi32, #tpu.memory_space<vmem>> -> memref<125xi32, #tpu.memory_space<vmem>>
    %dma_start3A_47 = arith.constant 0 : i32
    %dma_start3A_48 = arith.constant 0 : i32
    %dma_start3A_49 = tpu.memref_slice %arg9[%dma_start3A_47, %dma_start3A_48] : memref<10000x16xf32, #tpu.memory_space<vmem_shared>> -> memref<10000x16xf32, #tpu.memory_space<vmem_shared>>
    %dma_start3A_50 = tpu.memref_slice %arg11[%dma_start3A_39] : memref<4x!tpu.dma_semaphore, #tpu.memory_space<semaphore_mem>> -> memref<1x!tpu.dma_semaphore, #tpu.memory_space<semaphore_mem>>
    %dma_start3A_51 = tpu.memref_squeeze %dma_start3A_50 : memref<1x!tpu.dma_semaphore, #tpu.memory_space<semaphore_mem>> -> memref<!tpu.dma_semaphore, #tpu.memory_space<semaphore_mem>>
    tpu.enqueue_indirect_dma source(%dma_start3A_49 : memref<10000x16xf32, #tpu.memory_space<vmem_shared>>) target(%dma_start3A_43 : memref<125x16xf32, #tpu.memory_space<vmem>>) offsets(%dma_start3A_46 : memref<125xi32, #tpu.memory_space<vmem>>) semaphore(%dma_start3A_51 : memref<!tpu.dma_semaphore, #tpu.memory_space<semaphore_mem>>)
    %scan3A = arith.constant 0 : i32
    %scan3A_52 = arith.constant 20 : i32
    %scan3A_53 = arith.addi %scan3A, %scan3A_52 : i32
    %scan3A_54 = arith.constant 1 : i32
    scf.for %scan3A_130 = %scan3A to %scan3A_53 step %scan3A_54  : i32 {
      %mul3A_131 = arith.constant 4 : i32
      %mul3A_132 = arith.muli %scan3A_130, %mul3A_131 : i32
      %add3A_133 = arith.constant 0 : i32
      %add3A_134 = arith.addi %add3A_133, %mul3A_132 : i32
      %add3A_135 = arith.constant 0 : i32
      %add3A_136 = arith.addi %add3A_134, %add3A_135 : i32
      %dma_wait3A_137 = arith.constant 0 : i32
      %dma_wait3A_138 = arith.constant 0 : i32
      %dma_wait3A_139 = arith.constant 0 : i32
      %dma_wait3A_140 = arith.constant 0 : i32
      %dma_wait3A_141 = tpu.memref_slice %arg8[%dma_wait3A_137, %dma_wait3A_139, %dma_wait3A_140] : memref<4x125x16xf32, #tpu.memory_space<vmem>> -> memref<1x125x16xf32, #tpu.memory_space<vmem>>
      %dma_wait3A_142 = tpu.memref_squeeze %dma_wait3A_141 : memref<1x125x16xf32, #tpu.memory_space<vmem>> -> memref<125x16xf32, #tpu.memory_space<vmem>>
      %dma_wait3A_143 = arith.constant 0 : i32
      %dma_wait3A_144 = arith.constant 0 : i32
      %dma_wait3A_145 = tpu.memref_slice %arg4[%dma_wait3A_143, %dma_wait3A_144] : memref<625x16xf32, #tpu.memory_space<hbm>> -> memref<125x16xf32, #tpu.memory_space<hbm>>
      %dma_wait3A_146 = tpu.memref_slice %arg11[%dma_wait3A_138] : memref<4x!tpu.dma_semaphore, #tpu.memory_space<semaphore_mem>> -> memref<1x!tpu.dma_semaphore, #tpu.memory_space<semaphore_mem>>
      %dma_wait3A_147 = tpu.memref_squeeze %dma_wait3A_146 : memref<1x!tpu.dma_semaphore, #tpu.memory_space<semaphore_mem>> -> memref<!tpu.dma_semaphore, #tpu.memory_space<semaphore_mem>>
      %dma_wait3A_148 = arith.constant 0 : i32
      %dma_wait3A_149 = arith.constant 0 : i32
      %dma_wait3A_150 = tpu.memref_slice %arg8[%dma_wait3A_137, %dma_wait3A_148, %dma_wait3A_149] : memref<4x125x16xf32, #tpu.memory_space<vmem>> -> memref<1x125x16xf32, #tpu.memory_space<vmem>>
      %dma_wait3A_151 = tpu.memref_squeeze %dma_wait3A_150 : memref<1x125x16xf32, #tpu.memory_space<vmem>> -> memref<125x16xf32, #tpu.memory_space<vmem>>
      %dma_wait3A_152 = arith.constant 0 : i32
      %dma_wait3A_153 = arith.constant 0 : i32
      %dma_wait3A_154 = tpu.memref_slice %arg4[%dma_wait3A_152, %dma_wait3A_153] : memref<625x16xf32, #tpu.memory_space<hbm>> -> memref<125x16xf32, #tpu.memory_space<hbm>>
      tpu.wait_dma2 semaphore(%dma_wait3A_147 : memref<!tpu.dma_semaphore, #tpu.memory_space<semaphore_mem>>) src(%dma_wait3A_154 : memref<125x16xf32, #tpu.memory_space<hbm>>) dst(%dma_wait3A_151 : memref<125x16xf32, #tpu.memory_space<vmem>>)
      %dma_start3A_155 = arith.constant 0 : i32
      %dma_start3A_156 = arith.constant 0 : i32
      %dma_start3A_157 = arith.constant 0 : i32
      %dma_start3A_158 = arith.constant 0 : i32
      %dma_start3A_159 = tpu.memref_slice %arg8[%dma_start3A_155, %dma_start3A_157, %dma_start3A_158] : memref<4x125x16xf32, #tpu.memory_space<vmem>> -> memref<1x125x16xf32, #tpu.memory_space<vmem>>
      %dma_start3A_160 = tpu.memref_squeeze %dma_start3A_159 : memref<1x125x16xf32, #tpu.memory_space<vmem>> -> memref<125x16xf32, #tpu.memory_space<vmem>>
      %dma_start3A_161 = arith.constant 0 : i32
      %dma_start3A_162 = tpu.memref_slice %arg7[%add3A_136, %dma_start3A_161] : memref<80x125xi32, #tpu.memory_space<vmem>> -> memref<1x125xi32, #tpu.memory_space<vmem>>
      %dma_start3A_163 = tpu.memref_squeeze %dma_start3A_162 : memref<1x125xi32, #tpu.memory_space<vmem>> -> memref<125xi32, #tpu.memory_space<vmem>>
      %dma_start3A_164 = arith.constant 0 : i32
      %dma_start3A_165 = arith.constant 0 : i32
      %dma_start3A_166 = tpu.memref_slice %arg10[%dma_start3A_164, %dma_start3A_165] : memref<10000x16xf32, #tpu.memory_space<vmem_shared>> -> memref<10000x16xf32, #tpu.memory_space<vmem_shared>>
      %dma_start3A_167 = tpu.memref_slice %arg12[%dma_start3A_156] : memref<4x!tpu.dma_semaphore, #tpu.memory_space<semaphore_mem>> -> memref<1x!tpu.dma_semaphore, #tpu.memory_space<semaphore_mem>>
      %dma_start3A_168 = tpu.memref_squeeze %dma_start3A_167 : memref<1x!tpu.dma_semaphore, #tpu.memory_space<semaphore_mem>> -> memref<!tpu.dma_semaphore, #tpu.memory_space<semaphore_mem>>
      tpu.enqueue_indirect_dma source(%dma_start3A_160 : memref<125x16xf32, #tpu.memory_space<vmem>>) target(%dma_start3A_166 : memref<10000x16xf32, #tpu.memory_space<vmem_shared>>) offsets(%dma_start3A_163 : memref<125xi32, #tpu.memory_space<vmem>>) semaphore(%dma_start3A_168 : memref<!tpu.dma_semaphore, #tpu.memory_space<semaphore_mem>>) {add = true}
      %add3A_169 = arith.constant 3 : i32
      %add3A_170 = arith.addi %add3A_136, %add3A_169 : i32
      %lt3A = arith.constant 80 : i32
      %lt3A_171 = arith.cmpi slt, %add3A_170, %lt3A : i32
      %convert_element_type3A = arith.extui %lt3A_171 : i1 to i32
      %cond3A = arith.constant 0 : i32
      %cond3A_172 = arith.cmpi ne, %convert_element_type3A, %cond3A : i32
      scf.if %cond3A_172 {
        %ge3A = arith.constant 1 : i32
        %ge3A_296 = arith.cmpi sge, %add3A_136, %ge3A : i32
        %convert_element_type3A_297 = arith.extui %ge3A_296 : i1 to i32
        %cond3A_298 = arith.constant 0 : i32
        %cond3A_299 = arith.cmpi ne, %convert_element_type3A_297, %cond3A_298 : i32
        scf.if %cond3A_299 {
          %dma_wait3A_314 = arith.constant 3 : i32
          %dma_wait3A_315 = arith.constant 3 : i32
          %dma_wait3A_316 = arith.constant 0 : i32
          %dma_wait3A_317 = arith.constant 0 : i32
          %dma_wait3A_318 = tpu.memref_slice %arg8[%dma_wait3A_314, %dma_wait3A_316, %dma_wait3A_317] : memref<4x125x16xf32, #tpu.memory_space<vmem>> -> memref<1x125x16xf32, #tpu.memory_space<vmem>>
          %dma_wait3A_319 = tpu.memref_squeeze %dma_wait3A_318 : memref<1x125x16xf32, #tpu.memory_space<vmem>> -> memref<125x16xf32, #tpu.memory_space<vmem>>
          %dma_wait3A_320 = arith.constant 0 : i32
          %dma_wait3A_321 = arith.constant 0 : i32
          %dma_wait3A_322 = tpu.memref_slice %arg4[%dma_wait3A_320, %dma_wait3A_321] : memref<625x16xf32, #tpu.memory_space<hbm>> -> memref<125x16xf32, #tpu.memory_space<hbm>>
          %dma_wait3A_323 = tpu.memref_slice %arg12[%dma_wait3A_315] : memref<4x!tpu.dma_semaphore, #tpu.memory_space<semaphore_mem>> -> memref<1x!tpu.dma_semaphore, #tpu.memory_space<semaphore_mem>>
          %dma_wait3A_324 = tpu.memref_squeeze %dma_wait3A_323 : memref<1x!tpu.dma_semaphore, #tpu.memory_space<semaphore_mem>> -> memref<!tpu.dma_semaphore, #tpu.memory_space<semaphore_mem>>
          %dma_wait3A_325 = arith.constant 0 : i32
          %dma_wait3A_326 = arith.constant 0 : i32
          %dma_wait3A_327 = tpu.memref_slice %arg8[%dma_wait3A_314, %dma_wait3A_325, %dma_wait3A_326] : memref<4x125x16xf32, #tpu.memory_space<vmem>> -> memref<1x125x16xf32, #tpu.memory_space<vmem>>
          %dma_wait3A_328 = tpu.memref_squeeze %dma_wait3A_327 : memref<1x125x16xf32, #tpu.memory_space<vmem>> -> memref<125x16xf32, #tpu.memory_space<vmem>>
          %dma_wait3A_329 = arith.constant 0 : i32
          %dma_wait3A_330 = arith.constant 0 : i32
          %dma_wait3A_331 = tpu.memref_slice %arg4[%dma_wait3A_329, %dma_wait3A_330] : memref<625x16xf32, #tpu.memory_space<hbm>> -> memref<125x16xf32, #tpu.memory_space<hbm>>
          tpu.wait_dma2 semaphore(%dma_wait3A_324 : memref<!tpu.dma_semaphore, #tpu.memory_space<semaphore_mem>>) src(%dma_wait3A_331 : memref<125x16xf32, #tpu.memory_space<hbm>>) dst(%dma_wait3A_328 : memref<125x16xf32, #tpu.memory_space<vmem>>)
        } else {
        }
        %dma_start3A_300 = arith.constant 3 : i32
        %dma_start3A_301 = arith.constant 3 : i32
        %dma_start3A_302 = arith.constant 0 : i32
        %dma_start3A_303 = arith.constant 0 : i32
        %dma_start3A_304 = tpu.memref_slice %arg8[%dma_start3A_300, %dma_start3A_302, %dma_start3A_303] : memref<4x125x16xf32, #tpu.memory_space<vmem>> -> memref<1x125x16xf32, #tpu.memory_space<vmem>>
        %dma_start3A_305 = tpu.memref_squeeze %dma_start3A_304 : memref<1x125x16xf32, #tpu.memory_space<vmem>> -> memref<125x16xf32, #tpu.memory_space<vmem>>
        %dma_start3A_306 = arith.constant 0 : i32
        %dma_start3A_307 = tpu.memref_slice %arg6[%add3A_170, %dma_start3A_306] : memref<80x125xi32, #tpu.memory_space<vmem>> -> memref<1x125xi32, #tpu.memory_space<vmem>>
        %dma_start3A_308 = tpu.memref_squeeze %dma_start3A_307 : memref<1x125xi32, #tpu.memory_space<vmem>> -> memref<125xi32, #tpu.memory_space<vmem>>
        %dma_start3A_309 = arith.constant 0 : i32
        %dma_start3A_310 = arith.constant 0 : i32
        %dma_start3A_311 = tpu.memref_slice %arg9[%dma_start3A_309, %dma_start3A_310] : memref<10000x16xf32, #tpu.memory_space<vmem_shared>> -> memref<10000x16xf32, #tpu.memory_space<vmem_shared>>
        %dma_start3A_312 = tpu.memref_slice %arg11[%dma_start3A_301] : memref<4x!tpu.dma_semaphore, #tpu.memory_space<semaphore_mem>> -> memref<1x!tpu.dma_semaphore, #tpu.memory_space<semaphore_mem>>
        %dma_start3A_313 = tpu.memref_squeeze %dma_start3A_312 : memref<1x!tpu.dma_semaphore, #tpu.memory_space<semaphore_mem>> -> memref<!tpu.dma_semaphore, #tpu.memory_space<semaphore_mem>>
        tpu.enqueue_indirect_dma source(%dma_start3A_311 : memref<10000x16xf32, #tpu.memory_space<vmem_shared>>) target(%dma_start3A_305 : memref<125x16xf32, #tpu.memory_space<vmem>>) offsets(%dma_start3A_308 : memref<125xi32, #tpu.memory_space<vmem>>) semaphore(%dma_start3A_313 : memref<!tpu.dma_semaphore, #tpu.memory_space<semaphore_mem>>)
      } else {
      }
      %add3A_173 = arith.constant 1 : i32
      %add3A_174 = arith.addi %add3A_134, %add3A_173 : i32
      %dma_wait3A_175 = arith.constant 1 : i32
      %dma_wait3A_176 = arith.constant 1 : i32
      %dma_wait3A_177 = arith.constant 0 : i32
      %dma_wait3A_178 = arith.constant 0 : i32
      %dma_wait3A_179 = tpu.memref_slice %arg8[%dma_wait3A_175, %dma_wait3A_177, %dma_wait3A_178] : memref<4x125x16xf32, #tpu.memory_space<vmem>> -> memref<1x125x16xf32, #tpu.memory_space<vmem>>
      %dma_wait3A_180 = tpu.memref_squeeze %dma_wait3A_179 : memref<1x125x16xf32, #tpu.memory_space<vmem>> -> memref<125x16xf32, #tpu.memory_space<vmem>>
      %dma_wait3A_181 = arith.constant 0 : i32
      %dma_wait3A_182 = arith.constant 0 : i32
      %dma_wait3A_183 = tpu.memref_slice %arg4[%dma_wait3A_181, %dma_wait3A_182] : memref<625x16xf32, #tpu.memory_space<hbm>> -> memref<125x16xf32, #tpu.memory_space<hbm>>
      %dma_wait3A_184 = tpu.memref_slice %arg11[%dma_wait3A_176] : memref<4x!tpu.dma_semaphore, #tpu.memory_space<semaphore_mem>> -> memref<1x!tpu.dma_semaphore, #tpu.memory_space<semaphore_mem>>
      %dma_wait3A_185 = tpu.memref_squeeze %dma_wait3A_184 : memref<1x!tpu.dma_semaphore, #tpu.memory_space<semaphore_mem>> -> memref<!tpu.dma_semaphore, #tpu.memory_space<semaphore_mem>>
      %dma_wait3A_186 = arith.constant 0 : i32
      %dma_wait3A_187 = arith.constant 0 : i32
      %dma_wait3A_188 = tpu.memref_slice %arg8[%dma_wait3A_175, %dma_wait3A_186, %dma_wait3A_187] : memref<4x125x16xf32, #tpu.memory_space<vmem>> -> memref<1x125x16xf32, #tpu.memory_space<vmem>>
      %dma_wait3A_189 = tpu.memref_squeeze %dma_wait3A_188 : memref<1x125x16xf32, #tpu.memory_space<vmem>> -> memref<125x16xf32, #tpu.memory_space<vmem>>
      %dma_wait3A_190 = arith.constant 0 : i32
      %dma_wait3A_191 = arith.constant 0 : i32
      %dma_wait3A_192 = tpu.memref_slice %arg4[%dma_wait3A_190, %dma_wait3A_191] : memref<625x16xf32, #tpu.memory_space<hbm>> -> memref<125x16xf32, #tpu.memory_space<hbm>>
      tpu.wait_dma2 semaphore(%dma_wait3A_185 : memref<!tpu.dma_semaphore, #tpu.memory_space<semaphore_mem>>) src(%dma_wait3A_192 : memref<125x16xf32, #tpu.memory_space<hbm>>) dst(%dma_wait3A_189 : memref<125x16xf32, #tpu.memory_space<vmem>>)
      %dma_start3A_193 = arith.constant 1 : i32
      %dma_start3A_194 = arith.constant 1 : i32
      %dma_start3A_195 = arith.constant 0 : i32
      %dma_start3A_196 = arith.constant 0 : i32
      %dma_start3A_197 = tpu.memref_slice %arg8[%dma_start3A_193, %dma_start3A_195, %dma_start3A_196] : memref<4x125x16xf32, #tpu.memory_space<vmem>> -> memref<1x125x16xf32, #tpu.memory_space<vmem>>
      %dma_start3A_198 = tpu.memref_squeeze %dma_start3A_197 : memref<1x125x16xf32, #tpu.memory_space<vmem>> -> memref<125x16xf32, #tpu.memory_space<vmem>>
      %dma_start3A_199 = arith.constant 0 : i32
      %dma_start3A_200 = tpu.memref_slice %arg7[%add3A_174, %dma_start3A_199] : memref<80x125xi32, #tpu.memory_space<vmem>> -> memref<1x125xi32, #tpu.memory_space<vmem>>
      %dma_start3A_201 = tpu.memref_squeeze %dma_start3A_200 : memref<1x125xi32, #tpu.memory_space<vmem>> -> memref<125xi32, #tpu.memory_space<vmem>>
      %dma_start3A_202 = arith.constant 0 : i32
      %dma_start3A_203 = arith.constant 0 : i32
      %dma_start3A_204 = tpu.memref_slice %arg10[%dma_start3A_202, %dma_start3A_203] : memref<10000x16xf32, #tpu.memory_space<vmem_shared>> -> memref<10000x16xf32, #tpu.memory_space<vmem_shared>>
      %dma_start3A_205 = tpu.memref_slice %arg12[%dma_start3A_194] : memref<4x!tpu.dma_semaphore, #tpu.memory_space<semaphore_mem>> -> memref<1x!tpu.dma_semaphore, #tpu.memory_space<semaphore_mem>>
      %dma_start3A_206 = tpu.memref_squeeze %dma_start3A_205 : memref<1x!tpu.dma_semaphore, #tpu.memory_space<semaphore_mem>> -> memref<!tpu.dma_semaphore, #tpu.memory_space<semaphore_mem>>
      tpu.enqueue_indirect_dma source(%dma_start3A_198 : memref<125x16xf32, #tpu.memory_space<vmem>>) target(%dma_start3A_204 : memref<10000x16xf32, #tpu.memory_space<vmem_shared>>) offsets(%dma_start3A_201 : memref<125xi32, #tpu.memory_space<vmem>>) semaphore(%dma_start3A_206 : memref<!tpu.dma_semaphore, #tpu.memory_space<semaphore_mem>>) {add = true}
      %add3A_207 = arith.constant 3 : i32
      %add3A_208 = arith.addi %add3A_174, %add3A_207 : i32
      %lt3A_209 = arith.constant 80 : i32
      %lt3A_210 = arith.cmpi slt, %add3A_208, %lt3A_209 : i32
      %convert_element_type3A_211 = arith.extui %lt3A_210 : i1 to i32
      %cond3A_212 = arith.constant 0 : i32
      %cond3A_213 = arith.cmpi ne, %convert_element_type3A_211, %cond3A_212 : i32
      scf.if %cond3A_213 {
        %ge3A = arith.constant 1 : i32
        %ge3A_296 = arith.cmpi sge, %add3A_174, %ge3A : i32
        %convert_element_type3A_297 = arith.extui %ge3A_296 : i1 to i32
        %cond3A_298 = arith.constant 0 : i32
        %cond3A_299 = arith.cmpi ne, %convert_element_type3A_297, %cond3A_298 : i32
        scf.if %cond3A_299 {
          %dma_wait3A_314 = arith.constant 0 : i32
          %dma_wait3A_315 = arith.constant 0 : i32
          %dma_wait3A_316 = arith.constant 0 : i32
          %dma_wait3A_317 = arith.constant 0 : i32
          %dma_wait3A_318 = tpu.memref_slice %arg8[%dma_wait3A_314, %dma_wait3A_316, %dma_wait3A_317] : memref<4x125x16xf32, #tpu.memory_space<vmem>> -> memref<1x125x16xf32, #tpu.memory_space<vmem>>
          %dma_wait3A_319 = tpu.memref_squeeze %dma_wait3A_318 : memref<1x125x16xf32, #tpu.memory_space<vmem>> -> memref<125x16xf32, #tpu.memory_space<vmem>>
          %dma_wait3A_320 = arith.constant 0 : i32
          %dma_wait3A_321 = arith.constant 0 : i32
          %dma_wait3A_322 = tpu.memref_slice %arg4[%dma_wait3A_320, %dma_wait3A_321] : memref<625x16xf32, #tpu.memory_space<hbm>> -> memref<125x16xf32, #tpu.memory_space<hbm>>
          %dma_wait3A_323 = tpu.memref_slice %arg12[%dma_wait3A_315] : memref<4x!tpu.dma_semaphore, #tpu.memory_space<semaphore_mem>> -> memref<1x!tpu.dma_semaphore, #tpu.memory_space<semaphore_mem>>
          %dma_wait3A_324 = tpu.memref_squeeze %dma_wait3A_323 : memref<1x!tpu.dma_semaphore, #tpu.memory_space<semaphore_mem>> -> memref<!tpu.dma_semaphore, #tpu.memory_space<semaphore_mem>>
          %dma_wait3A_325 = arith.constant 0 : i32
          %dma_wait3A_326 = arith.constant 0 : i32
          %dma_wait3A_327 = tpu.memref_slice %arg8[%dma_wait3A_314, %dma_wait3A_325, %dma_wait3A_326] : memref<4x125x16xf32, #tpu.memory_space<vmem>> -> memref<1x125x16xf32, #tpu.memory_space<vmem>>
          %dma_wait3A_328 = tpu.memref_squeeze %dma_wait3A_327 : memref<1x125x16xf32, #tpu.memory_space<vmem>> -> memref<125x16xf32, #tpu.memory_space<vmem>>
          %dma_wait3A_329 = arith.constant 0 : i32
          %dma_wait3A_330 = arith.constant 0 : i32
          %dma_wait3A_331 = tpu.memref_slice %arg4[%dma_wait3A_329, %dma_wait3A_330] : memref<625x16xf32, #tpu.memory_space<hbm>> -> memref<125x16xf32, #tpu.memory_space<hbm>>
          tpu.wait_dma2 semaphore(%dma_wait3A_324 : memref<!tpu.dma_semaphore, #tpu.memory_space<semaphore_mem>>) src(%dma_wait3A_331 : memref<125x16xf32, #tpu.memory_space<hbm>>) dst(%dma_wait3A_328 : memref<125x16xf32, #tpu.memory_space<vmem>>)
        } else {
        }
        %dma_start3A_300 = arith.constant 0 : i32
        %dma_start3A_301 = arith.constant 0 : i32
        %dma_start3A_302 = arith.constant 0 : i32
        %dma_start3A_303 = arith.constant 0 : i32
        %dma_start3A_304 = tpu.memref_slice %arg8[%dma_start3A_300, %dma_start3A_302, %dma_start3A_303] : memref<4x125x16xf32, #tpu.memory_space<vmem>> -> memref<1x125x16xf32, #tpu.memory_space<vmem>>
        %dma_start3A_305 = tpu.memref_squeeze %dma_start3A_304 : memref<1x125x16xf32, #tpu.memory_space<vmem>> -> memref<125x16xf32, #tpu.memory_space<vmem>>
        %dma_start3A_306 = arith.constant 0 : i32
        %dma_start3A_307 = tpu.memref_slice %arg6[%add3A_208, %dma_start3A_306] : memref<80x125xi32, #tpu.memory_space<vmem>> -> memref<1x125xi32, #tpu.memory_space<vmem>>
        %dma_start3A_308 = tpu.memref_squeeze %dma_start3A_307 : memref<1x125xi32, #tpu.memory_space<vmem>> -> memref<125xi32, #tpu.memory_space<vmem>>
        %dma_start3A_309 = arith.constant 0 : i32
        %dma_start3A_310 = arith.constant 0 : i32
        %dma_start3A_311 = tpu.memref_slice %arg9[%dma_start3A_309, %dma_start3A_310] : memref<10000x16xf32, #tpu.memory_space<vmem_shared>> -> memref<10000x16xf32, #tpu.memory_space<vmem_shared>>
        %dma_start3A_312 = tpu.memref_slice %arg11[%dma_start3A_301] : memref<4x!tpu.dma_semaphore, #tpu.memory_space<semaphore_mem>> -> memref<1x!tpu.dma_semaphore, #tpu.memory_space<semaphore_mem>>
        %dma_start3A_313 = tpu.memref_squeeze %dma_start3A_312 : memref<1x!tpu.dma_semaphore, #tpu.memory_space<semaphore_mem>> -> memref<!tpu.dma_semaphore, #tpu.memory_space<semaphore_mem>>
        tpu.enqueue_indirect_dma source(%dma_start3A_311 : memref<10000x16xf32, #tpu.memory_space<vmem_shared>>) target(%dma_start3A_305 : memref<125x16xf32, #tpu.memory_space<vmem>>) offsets(%dma_start3A_308 : memref<125xi32, #tpu.memory_space<vmem>>) semaphore(%dma_start3A_313 : memref<!tpu.dma_semaphore, #tpu.memory_space<semaphore_mem>>)
      } else {
      }
      %add3A_214 = arith.constant 2 : i32
      %add3A_215 = arith.addi %add3A_134, %add3A_214 : i32
      %dma_wait3A_216 = arith.constant 2 : i32
      %dma_wait3A_217 = arith.constant 2 : i32
      %dma_wait3A_218 = arith.constant 0 : i32
      %dma_wait3A_219 = arith.constant 0 : i32
      %dma_wait3A_220 = tpu.memref_slice %arg8[%dma_wait3A_216, %dma_wait3A_218, %dma_wait3A_219] : memref<4x125x16xf32, #tpu.memory_space<vmem>> -> memref<1x125x16xf32, #tpu.memory_space<vmem>>
      %dma_wait3A_221 = tpu.memref_squeeze %dma_wait3A_220 : memref<1x125x16xf32, #tpu.memory_space<vmem>> -> memref<125x16xf32, #tpu.memory_space<vmem>>
      %dma_wait3A_222 = arith.constant 0 : i32
      %dma_wait3A_223 = arith.constant 0 : i32
      %dma_wait3A_224 = tpu.memref_slice %arg4[%dma_wait3A_222, %dma_wait3A_223] : memref<625x16xf32, #tpu.memory_space<hbm>> -> memref<125x16xf32, #tpu.memory_space<hbm>>
      %dma_wait3A_225 = tpu.memref_slice %arg11[%dma_wait3A_217] : memref<4x!tpu.dma_semaphore, #tpu.memory_space<semaphore_mem>> -> memref<1x!tpu.dma_semaphore, #tpu.memory_space<semaphore_mem>>
      %dma_wait3A_226 = tpu.memref_squeeze %dma_wait3A_225 : memref<1x!tpu.dma_semaphore, #tpu.memory_space<semaphore_mem>> -> memref<!tpu.dma_semaphore, #tpu.memory_space<semaphore_mem>>
      %dma_wait3A_227 = arith.constant 0 : i32
      %dma_wait3A_228 = arith.constant 0 : i32
      %dma_wait3A_229 = tpu.memref_slice %arg8[%dma_wait3A_216, %dma_wait3A_227, %dma_wait3A_228] : memref<4x125x16xf32, #tpu.memory_space<vmem>> -> memref<1x125x16xf32, #tpu.memory_space<vmem>>
      %dma_wait3A_230 = tpu.memref_squeeze %dma_wait3A_229 : memref<1x125x16xf32, #tpu.memory_space<vmem>> -> memref<125x16xf32, #tpu.memory_space<vmem>>
      %dma_wait3A_231 = arith.constant 0 : i32
      %dma_wait3A_232 = arith.constant 0 : i32
      %dma_wait3A_233 = tpu.memref_slice %arg4[%dma_wait3A_231, %dma_wait3A_232] : memref<625x16xf32, #tpu.memory_space<hbm>> -> memref<125x16xf32, #tpu.memory_space<hbm>>
      tpu.wait_dma2 semaphore(%dma_wait3A_226 : memref<!tpu.dma_semaphore, #tpu.memory_space<semaphore_mem>>) src(%dma_wait3A_233 : memref<125x16xf32, #tpu.memory_space<hbm>>) dst(%dma_wait3A_230 : memref<125x16xf32, #tpu.memory_space<vmem>>)
      %dma_start3A_234 = arith.constant 2 : i32
      %dma_start3A_235 = arith.constant 2 : i32
      %dma_start3A_236 = arith.constant 0 : i32
      %dma_start3A_237 = arith.constant 0 : i32
      %dma_start3A_238 = tpu.memref_slice %arg8[%dma_start3A_234, %dma_start3A_236, %dma_start3A_237] : memref<4x125x16xf32, #tpu.memory_space<vmem>> -> memref<1x125x16xf32, #tpu.memory_space<vmem>>
      %dma_start3A_239 = tpu.memref_squeeze %dma_start3A_238 : memref<1x125x16xf32, #tpu.memory_space<vmem>> -> memref<125x16xf32, #tpu.memory_space<vmem>>
      %dma_start3A_240 = arith.constant 0 : i32
      %dma_start3A_241 = tpu.memref_slice %arg7[%add3A_215, %dma_start3A_240] : memref<80x125xi32, #tpu.memory_space<vmem>> -> memref<1x125xi32, #tpu.memory_space<vmem>>
      %dma_start3A_242 = tpu.memref_squeeze %dma_start3A_241 : memref<1x125xi32, #tpu.memory_space<vmem>> -> memref<125xi32, #tpu.memory_space<vmem>>
      %dma_start3A_243 = arith.constant 0 : i32
      %dma_start3A_244 = arith.constant 0 : i32
      %dma_start3A_245 = tpu.memref_slice %arg10[%dma_start3A_243, %dma_start3A_244] : memref<10000x16xf32, #tpu.memory_space<vmem_shared>> -> memref<10000x16xf32, #tpu.memory_space<vmem_shared>>
      %dma_start3A_246 = tpu.memref_slice %arg12[%dma_start3A_235] : memref<4x!tpu.dma_semaphore, #tpu.memory_space<semaphore_mem>> -> memref<1x!tpu.dma_semaphore, #tpu.memory_space<semaphore_mem>>
      %dma_start3A_247 = tpu.memref_squeeze %dma_start3A_246 : memref<1x!tpu.dma_semaphore, #tpu.memory_space<semaphore_mem>> -> memref<!tpu.dma_semaphore, #tpu.memory_space<semaphore_mem>>
      tpu.enqueue_indirect_dma source(%dma_start3A_239 : memref<125x16xf32, #tpu.memory_space<vmem>>) target(%dma_start3A_245 : memref<10000x16xf32, #tpu.memory_space<vmem_shared>>) offsets(%dma_start3A_242 : memref<125xi32, #tpu.memory_space<vmem>>) semaphore(%dma_start3A_247 : memref<!tpu.dma_semaphore, #tpu.memory_space<semaphore_mem>>) {add = true}
      %add3A_248 = arith.constant 3 : i32
      %add3A_249 = arith.addi %add3A_215, %add3A_248 : i32
      %lt3A_250 = arith.constant 80 : i32
      %lt3A_251 = arith.cmpi slt, %add3A_249, %lt3A_250 : i32
      %convert_element_type3A_252 = arith.extui %lt3A_251 : i1 to i32
      %cond3A_253 = arith.constant 0 : i32
      %cond3A_254 = arith.cmpi ne, %convert_element_type3A_252, %cond3A_253 : i32
      scf.if %cond3A_254 {
        %ge3A = arith.constant 1 : i32
        %ge3A_296 = arith.cmpi sge, %add3A_215, %ge3A : i32
        %convert_element_type3A_297 = arith.extui %ge3A_296 : i1 to i32
        %cond3A_298 = arith.constant 0 : i32
        %cond3A_299 = arith.cmpi ne, %convert_element_type3A_297, %cond3A_298 : i32
        scf.if %cond3A_299 {
          %dma_wait3A_314 = arith.constant 1 : i32
          %dma_wait3A_315 = arith.constant 1 : i32
          %dma_wait3A_316 = arith.constant 0 : i32
          %dma_wait3A_317 = arith.constant 0 : i32
          %dma_wait3A_318 = tpu.memref_slice %arg8[%dma_wait3A_314, %dma_wait3A_316, %dma_wait3A_317] : memref<4x125x16xf32, #tpu.memory_space<vmem>> -> memref<1x125x16xf32, #tpu.memory_space<vmem>>
          %dma_wait3A_319 = tpu.memref_squeeze %dma_wait3A_318 : memref<1x125x16xf32, #tpu.memory_space<vmem>> -> memref<125x16xf32, #tpu.memory_space<vmem>>
          %dma_wait3A_320 = arith.constant 0 : i32
          %dma_wait3A_321 = arith.constant 0 : i32
          %dma_wait3A_322 = tpu.memref_slice %arg4[%dma_wait3A_320, %dma_wait3A_321] : memref<625x16xf32, #tpu.memory_space<hbm>> -> memref<125x16xf32, #tpu.memory_space<hbm>>
          %dma_wait3A_323 = tpu.memref_slice %arg12[%dma_wait3A_315] : memref<4x!tpu.dma_semaphore, #tpu.memory_space<semaphore_mem>> -> memref<1x!tpu.dma_semaphore, #tpu.memory_space<semaphore_mem>>
          %dma_wait3A_324 = tpu.memref_squeeze %dma_wait3A_323 : memref<1x!tpu.dma_semaphore, #tpu.memory_space<semaphore_mem>> -> memref<!tpu.dma_semaphore, #tpu.memory_space<semaphore_mem>>
          %dma_wait3A_325 = arith.constant 0 : i32
          %dma_wait3A_326 = arith.constant 0 : i32
          %dma_wait3A_327 = tpu.memref_slice %arg8[%dma_wait3A_314, %dma_wait3A_325, %dma_wait3A_326] : memref<4x125x16xf32, #tpu.memory_space<vmem>> -> memref<1x125x16xf32, #tpu.memory_space<vmem>>
          %dma_wait3A_328 = tpu.memref_squeeze %dma_wait3A_327 : memref<1x125x16xf32, #tpu.memory_space<vmem>> -> memref<125x16xf32, #tpu.memory_space<vmem>>
          %dma_wait3A_329 = arith.constant 0 : i32
          %dma_wait3A_330 = arith.constant 0 : i32
          %dma_wait3A_331 = tpu.memref_slice %arg4[%dma_wait3A_329, %dma_wait3A_330] : memref<625x16xf32, #tpu.memory_space<hbm>> -> memref<125x16xf32, #tpu.memory_space<hbm>>
          tpu.wait_dma2 semaphore(%dma_wait3A_324 : memref<!tpu.dma_semaphore, #tpu.memory_space<semaphore_mem>>) src(%dma_wait3A_331 : memref<125x16xf32, #tpu.memory_space<hbm>>) dst(%dma_wait3A_328 : memref<125x16xf32, #tpu.memory_space<vmem>>)
        } else {
        }
        %dma_start3A_300 = arith.constant 1 : i32
        %dma_start3A_301 = arith.constant 1 : i32
        %dma_start3A_302 = arith.constant 0 : i32
        %dma_start3A_303 = arith.constant 0 : i32
        %dma_start3A_304 = tpu.memref_slice %arg8[%dma_start3A_300, %dma_start3A_302, %dma_start3A_303] : memref<4x125x16xf32, #tpu.memory_space<vmem>> -> memref<1x125x16xf32, #tpu.memory_space<vmem>>
        %dma_start3A_305 = tpu.memref_squeeze %dma_start3A_304 : memref<1x125x16xf32, #tpu.memory_space<vmem>> -> memref<125x16xf32, #tpu.memory_space<vmem>>
        %dma_start3A_306 = arith.constant 0 : i32
        %dma_start3A_307 = tpu.memref_slice %arg6[%add3A_249, %dma_start3A_306] : memref<80x125xi32, #tpu.memory_space<vmem>> -> memref<1x125xi32, #tpu.memory_space<vmem>>
        %dma_start3A_308 = tpu.memref_squeeze %dma_start3A_307 : memref<1x125xi32, #tpu.memory_space<vmem>> -> memref<125xi32, #tpu.memory_space<vmem>>
        %dma_start3A_309 = arith.constant 0 : i32
        %dma_start3A_310 = arith.constant 0 : i32
        %dma_start3A_311 = tpu.memref_slice %arg9[%dma_start3A_309, %dma_start3A_310] : memref<10000x16xf32, #tpu.memory_space<vmem_shared>> -> memref<10000x16xf32, #tpu.memory_space<vmem_shared>>
        %dma_start3A_312 = tpu.memref_slice %arg11[%dma_start3A_301] : memref<4x!tpu.dma_semaphore, #tpu.memory_space<semaphore_mem>> -> memref<1x!tpu.dma_semaphore, #tpu.memory_space<semaphore_mem>>
        %dma_start3A_313 = tpu.memref_squeeze %dma_start3A_312 : memref<1x!tpu.dma_semaphore, #tpu.memory_space<semaphore_mem>> -> memref<!tpu.dma_semaphore, #tpu.memory_space<semaphore_mem>>
        tpu.enqueue_indirect_dma source(%dma_start3A_311 : memref<10000x16xf32, #tpu.memory_space<vmem_shared>>) target(%dma_start3A_305 : memref<125x16xf32, #tpu.memory_space<vmem>>) offsets(%dma_start3A_308 : memref<125xi32, #tpu.memory_space<vmem>>) semaphore(%dma_start3A_313 : memref<!tpu.dma_semaphore, #tpu.memory_space<semaphore_mem>>)
      } else {
      }
      %add3A_255 = arith.constant 3 : i32
      %add3A_256 = arith.addi %add3A_134, %add3A_255 : i32
      %dma_wait3A_257 = arith.constant 3 : i32
      %dma_wait3A_258 = arith.constant 3 : i32
      %dma_wait3A_259 = arith.constant 0 : i32
      %dma_wait3A_260 = arith.constant 0 : i32
      %dma_wait3A_261 = tpu.memref_slice %arg8[%dma_wait3A_257, %dma_wait3A_259, %dma_wait3A_260] : memref<4x125x16xf32, #tpu.memory_space<vmem>> -> memref<1x125x16xf32, #tpu.memory_space<vmem>>
      %dma_wait3A_262 = tpu.memref_squeeze %dma_wait3A_261 : memref<1x125x16xf32, #tpu.memory_space<vmem>> -> memref<125x16xf32, #tpu.memory_space<vmem>>
      %dma_wait3A_263 = arith.constant 0 : i32
      %dma_wait3A_264 = arith.constant 0 : i32
      %dma_wait3A_265 = tpu.memref_slice %arg4[%dma_wait3A_263, %dma_wait3A_264] : memref<625x16xf32, #tpu.memory_space<hbm>> -> memref<125x16xf32, #tpu.memory_space<hbm>>
      %dma_wait3A_266 = tpu.memref_slice %arg11[%dma_wait3A_258] : memref<4x!tpu.dma_semaphore, #tpu.memory_space<semaphore_mem>> -> memref<1x!tpu.dma_semaphore, #tpu.memory_space<semaphore_mem>>
      %dma_wait3A_267 = tpu.memref_squeeze %dma_wait3A_266 : memref<1x!tpu.dma_semaphore, #tpu.memory_space<semaphore_mem>> -> memref<!tpu.dma_semaphore, #tpu.memory_space<semaphore_mem>>
      %dma_wait3A_268 = arith.constant 0 : i32
      %dma_wait3A_269 = arith.constant 0 : i32
      %dma_wait3A_270 = tpu.memref_slice %arg8[%dma_wait3A_257, %dma_wait3A_268, %dma_wait3A_269] : memref<4x125x16xf32, #tpu.memory_space<vmem>> -> memref<1x125x16xf32, #tpu.memory_space<vmem>>
      %dma_wait3A_271 = tpu.memref_squeeze %dma_wait3A_270 : memref<1x125x16xf32, #tpu.memory_space<vmem>> -> memref<125x16xf32, #tpu.memory_space<vmem>>
      %dma_wait3A_272 = arith.constant 0 : i32
      %dma_wait3A_273 = arith.constant 0 : i32
      %dma_wait3A_274 = tpu.memref_slice %arg4[%dma_wait3A_272, %dma_wait3A_273] : memref<625x16xf32, #tpu.memory_space<hbm>> -> memref<125x16xf32, #tpu.memory_space<hbm>>
      tpu.wait_dma2 semaphore(%dma_wait3A_267 : memref<!tpu.dma_semaphore, #tpu.memory_space<semaphore_mem>>) src(%dma_wait3A_274 : memref<125x16xf32, #tpu.memory_space<hbm>>) dst(%dma_wait3A_271 : memref<125x16xf32, #tpu.memory_space<vmem>>)
      %dma_start3A_275 = arith.constant 3 : i32
      %dma_start3A_276 = arith.constant 3 : i32
      %dma_start3A_277 = arith.constant 0 : i32
      %dma_start3A_278 = arith.constant 0 : i32
      %dma_start3A_279 = tpu.memref_slice %arg8[%dma_start3A_275, %dma_start3A_277, %dma_start3A_278] : memref<4x125x16xf32, #tpu.memory_space<vmem>> -> memref<1x125x16xf32, #tpu.memory_space<vmem>>
      %dma_start3A_280 = tpu.memref_squeeze %dma_start3A_279 : memref<1x125x16xf32, #tpu.memory_space<vmem>> -> memref<125x16xf32, #tpu.memory_space<vmem>>
      %dma_start3A_281 = arith.constant 0 : i32
      %dma_start3A_282 = tpu.memref_slice %arg7[%add3A_256, %dma_start3A_281] : memref<80x125xi32, #tpu.memory_space<vmem>> -> memref<1x125xi32, #tpu.memory_space<vmem>>
      %dma_start3A_283 = tpu.memref_squeeze %dma_start3A_282 : memref<1x125xi32, #tpu.memory_space<vmem>> -> memref<125xi32, #tpu.memory_space<vmem>>
      %dma_start3A_284 = arith.constant 0 : i32
      %dma_start3A_285 = arith.constant 0 : i32
      %dma_start3A_286 = tpu.memref_slice %arg10[%dma_start3A_284, %dma_start3A_285] : memref<10000x16xf32, #tpu.memory_space<vmem_shared>> -> memref<10000x16xf32, #tpu.memory_space<vmem_shared>>
      %dma_start3A_287 = tpu.memref_slice %arg12[%dma_start3A_276] : memref<4x!tpu.dma_semaphore, #tpu.memory_space<semaphore_mem>> -> memref<1x!tpu.dma_semaphore, #tpu.memory_space<semaphore_mem>>
      %dma_start3A_288 = tpu.memref_squeeze %dma_start3A_287 : memref<1x!tpu.dma_semaphore, #tpu.memory_space<semaphore_mem>> -> memref<!tpu.dma_semaphore, #tpu.memory_space<semaphore_mem>>
      tpu.enqueue_indirect_dma source(%dma_start3A_280 : memref<125x16xf32, #tpu.memory_space<vmem>>) target(%dma_start3A_286 : memref<10000x16xf32, #tpu.memory_space<vmem_shared>>) offsets(%dma_start3A_283 : memref<125xi32, #tpu.memory_space<vmem>>) semaphore(%dma_start3A_288 : memref<!tpu.dma_semaphore, #tpu.memory_space<semaphore_mem>>) {add = true}
      %add3A_289 = arith.constant 3 : i32
      %add3A_290 = arith.addi %add3A_256, %add3A_289 : i32
      %lt3A_291 = arith.constant 80 : i32
      %lt3A_292 = arith.cmpi slt, %add3A_290, %lt3A_291 : i32
      %convert_element_type3A_293 = arith.extui %lt3A_292 : i1 to i32
      %cond3A_294 = arith.constant 0 : i32
      %cond3A_295 = arith.cmpi ne, %convert_element_type3A_293, %cond3A_294 : i32
      scf.if %cond3A_295 {
        %ge3A = arith.constant 1 : i32
        %ge3A_296 = arith.cmpi sge, %add3A_256, %ge3A : i32
        %convert_element_type3A_297 = arith.extui %ge3A_296 : i1 to i32
        %cond3A_298 = arith.constant 0 : i32
        %cond3A_299 = arith.cmpi ne, %convert_element_type3A_297, %cond3A_298 : i32
        scf.if %cond3A_299 {
          %dma_wait3A_314 = arith.constant 2 : i32
          %dma_wait3A_315 = arith.constant 2 : i32
          %dma_wait3A_316 = arith.constant 0 : i32
          %dma_wait3A_317 = arith.constant 0 : i32
          %dma_wait3A_318 = tpu.memref_slice %arg8[%dma_wait3A_314, %dma_wait3A_316, %dma_wait3A_317] : memref<4x125x16xf32, #tpu.memory_space<vmem>> -> memref<1x125x16xf32, #tpu.memory_space<vmem>>
          %dma_wait3A_319 = tpu.memref_squeeze %dma_wait3A_318 : memref<1x125x16xf32, #tpu.memory_space<vmem>> -> memref<125x16xf32, #tpu.memory_space<vmem>>
          %dma_wait3A_320 = arith.constant 0 : i32
          %dma_wait3A_321 = arith.constant 0 : i32
          %dma_wait3A_322 = tpu.memref_slice %arg4[%dma_wait3A_320, %dma_wait3A_321] : memref<625x16xf32, #tpu.memory_space<hbm>> -> memref<125x16xf32, #tpu.memory_space<hbm>>
          %dma_wait3A_323 = tpu.memref_slice %arg12[%dma_wait3A_315] : memref<4x!tpu.dma_semaphore, #tpu.memory_space<semaphore_mem>> -> memref<1x!tpu.dma_semaphore, #tpu.memory_space<semaphore_mem>>
          %dma_wait3A_324 = tpu.memref_squeeze %dma_wait3A_323 : memref<1x!tpu.dma_semaphore, #tpu.memory_space<semaphore_mem>> -> memref<!tpu.dma_semaphore, #tpu.memory_space<semaphore_mem>>
          %dma_wait3A_325 = arith.constant 0 : i32
          %dma_wait3A_326 = arith.constant 0 : i32
          %dma_wait3A_327 = tpu.memref_slice %arg8[%dma_wait3A_314, %dma_wait3A_325, %dma_wait3A_326] : memref<4x125x16xf32, #tpu.memory_space<vmem>> -> memref<1x125x16xf32, #tpu.memory_space<vmem>>
          %dma_wait3A_328 = tpu.memref_squeeze %dma_wait3A_327 : memref<1x125x16xf32, #tpu.memory_space<vmem>> -> memref<125x16xf32, #tpu.memory_space<vmem>>
          %dma_wait3A_329 = arith.constant 0 : i32
          %dma_wait3A_330 = arith.constant 0 : i32
          %dma_wait3A_331 = tpu.memref_slice %arg4[%dma_wait3A_329, %dma_wait3A_330] : memref<625x16xf32, #tpu.memory_space<hbm>> -> memref<125x16xf32, #tpu.memory_space<hbm>>
          tpu.wait_dma2 semaphore(%dma_wait3A_324 : memref<!tpu.dma_semaphore, #tpu.memory_space<semaphore_mem>>) src(%dma_wait3A_331 : memref<125x16xf32, #tpu.memory_space<hbm>>) dst(%dma_wait3A_328 : memref<125x16xf32, #tpu.memory_space<vmem>>)
        } else {
        }
        %dma_start3A_300 = arith.constant 2 : i32
        %dma_start3A_301 = arith.constant 2 : i32
        %dma_start3A_302 = arith.constant 0 : i32
        %dma_start3A_303 = arith.constant 0 : i32
        %dma_start3A_304 = tpu.memref_slice %arg8[%dma_start3A_300, %dma_start3A_302, %dma_start3A_303] : memref<4x125x16xf32, #tpu.memory_space<vmem>> -> memref<1x125x16xf32, #tpu.memory_space<vmem>>
        %dma_start3A_305 = tpu.memref_squeeze %dma_start3A_304 : memref<1x125x16xf32, #tpu.memory_space<vmem>> -> memref<125x16xf32, #tpu.memory_space<vmem>>
        %dma_start3A_306 = arith.constant 0 : i32
        %dma_start3A_307 = tpu.memref_slice %arg6[%add3A_290, %dma_start3A_306] : memref<80x125xi32, #tpu.memory_space<vmem>> -> memref<1x125xi32, #tpu.memory_space<vmem>>
        %dma_start3A_308 = tpu.memref_squeeze %dma_start3A_307 : memref<1x125xi32, #tpu.memory_space<vmem>> -> memref<125xi32, #tpu.memory_space<vmem>>
        %dma_start3A_309 = arith.constant 0 : i32
        %dma_start3A_310 = arith.constant 0 : i32
        %dma_start3A_311 = tpu.memref_slice %arg9[%dma_start3A_309, %dma_start3A_310] : memref<10000x16xf32, #tpu.memory_space<vmem_shared>> -> memref<10000x16xf32, #tpu.memory_space<vmem_shared>>
        %dma_start3A_312 = tpu.memref_slice %arg11[%dma_start3A_301] : memref<4x!tpu.dma_semaphore, #tpu.memory_space<semaphore_mem>> -> memref<1x!tpu.dma_semaphore, #tpu.memory_space<semaphore_mem>>
        %dma_start3A_313 = tpu.memref_squeeze %dma_start3A_312 : memref<1x!tpu.dma_semaphore, #tpu.memory_space<semaphore_mem>> -> memref<!tpu.dma_semaphore, #tpu.memory_space<semaphore_mem>>
        tpu.enqueue_indirect_dma source(%dma_start3A_311 : memref<10000x16xf32, #tpu.memory_space<vmem_shared>>) target(%dma_start3A_305 : memref<125x16xf32, #tpu.memory_space<vmem>>) offsets(%dma_start3A_308 : memref<125xi32, #tpu.memory_space<vmem>>) semaphore(%dma_start3A_313 : memref<!tpu.dma_semaphore, #tpu.memory_space<semaphore_mem>>)
      } else {
      }
    }
    %scan3A_55 = arith.constant 20 : i32
    %dma_wait3A = arith.constant 0 : i32
    %dma_wait3A_56 = arith.constant 0 : i32
    %dma_wait3A_57 = arith.constant 0 : i32
    %dma_wait3A_58 = arith.constant 0 : i32
    %dma_wait3A_59 = tpu.memref_slice %arg8[%dma_wait3A, %dma_wait3A_57, %dma_wait3A_58] : memref<4x125x16xf32, #tpu.memory_space<vmem>> -> memref<1x125x16xf32, #tpu.memory_space<vmem>>
    %dma_wait3A_60 = tpu.memref_squeeze %dma_wait3A_59 : memref<1x125x16xf32, #tpu.memory_space<vmem>> -> memref<125x16xf32, #tpu.memory_space<vmem>>
    %dma_wait3A_61 = arith.constant 0 : i32
    %dma_wait3A_62 = arith.constant 0 : i32
    %dma_wait3A_63 = tpu.memref_slice %arg4[%dma_wait3A_61, %dma_wait3A_62] : memref<625x16xf32, #tpu.memory_space<hbm>> -> memref<125x16xf32, #tpu.memory_space<hbm>>
    %dma_wait3A_64 = tpu.memref_slice %arg12[%dma_wait3A_56] : memref<4x!tpu.dma_semaphore, #tpu.memory_space<semaphore_mem>> -> memref<1x!tpu.dma_semaphore, #tpu.memory_space<semaphore_mem>>
    %dma_wait3A_65 = tpu.memref_squeeze %dma_wait3A_64 : memref<1x!tpu.dma_semaphore, #tpu.memory_space<semaphore_mem>> -> memref<!tpu.dma_semaphore, #tpu.memory_space<semaphore_mem>>
    %dma_wait3A_66 = arith.constant 0 : i32
    %dma_wait3A_67 = arith.constant 0 : i32
    %dma_wait3A_68 = tpu.memref_slice %arg8[%dma_wait3A, %dma_wait3A_66, %dma_wait3A_67] : memref<4x125x16xf32, #tpu.memory_space<vmem>> -> memref<1x125x16xf32, #tpu.memory_space<vmem>>
    %dma_wait3A_69 = tpu.memref_squeeze %dma_wait3A_68 : memref<1x125x16xf32, #tpu.memory_space<vmem>> -> memref<125x16xf32, #tpu.memory_space<vmem>>
    %dma_wait3A_70 = arith.constant 0 : i32
    %dma_wait3A_71 = arith.constant 0 : i32
    %dma_wait3A_72 = tpu.memref_slice %arg4[%dma_wait3A_70, %dma_wait3A_71] : memref<625x16xf32, #tpu.memory_space<hbm>> -> memref<125x16xf32, #tpu.memory_space<hbm>>
    tpu.wait_dma2 semaphore(%dma_wait3A_65 : memref<!tpu.dma_semaphore, #tpu.memory_space<semaphore_mem>>) src(%dma_wait3A_72 : memref<125x16xf32, #tpu.memory_space<hbm>>) dst(%dma_wait3A_69 : memref<125x16xf32, #tpu.memory_space<vmem>>)
    %dma_wait3A_73 = arith.constant 1 : i32
    %dma_wait3A_74 = arith.constant 1 : i32
    %dma_wait3A_75 = arith.constant 0 : i32
    %dma_wait3A_76 = arith.constant 0 : i32
    %dma_wait3A_77 = tpu.memref_slice %arg8[%dma_wait3A_73, %dma_wait3A_75, %dma_wait3A_76] : memref<4x125x16xf32, #tpu.memory_space<vmem>> -> memref<1x125x16xf32, #tpu.memory_space<vmem>>
    %dma_wait3A_78 = tpu.memref_squeeze %dma_wait3A_77 : memref<1x125x16xf32, #tpu.memory_space<vmem>> -> memref<125x16xf32, #tpu.memory_space<vmem>>
    %dma_wait3A_79 = arith.constant 0 : i32
    %dma_wait3A_80 = arith.constant 0 : i32
    %dma_wait3A_81 = tpu.memref_slice %arg4[%dma_wait3A_79, %dma_wait3A_80] : memref<625x16xf32, #tpu.memory_space<hbm>> -> memref<125x16xf32, #tpu.memory_space<hbm>>
    %dma_wait3A_82 = tpu.memref_slice %arg12[%dma_wait3A_74] : memref<4x!tpu.dma_semaphore, #tpu.memory_space<semaphore_mem>> -> memref<1x!tpu.dma_semaphore, #tpu.memory_space<semaphore_mem>>
    %dma_wait3A_83 = tpu.memref_squeeze %dma_wait3A_82 : memref<1x!tpu.dma_semaphore, #tpu.memory_space<semaphore_mem>> -> memref<!tpu.dma_semaphore, #tpu.memory_space<semaphore_mem>>
    %dma_wait3A_84 = arith.constant 0 : i32
    %dma_wait3A_85 = arith.constant 0 : i32
    %dma_wait3A_86 = tpu.memref_slice %arg8[%dma_wait3A_73, %dma_wait3A_84, %dma_wait3A_85] : memref<4x125x16xf32, #tpu.memory_space<vmem>> -> memref<1x125x16xf32, #tpu.memory_space<vmem>>
    %dma_wait3A_87 = tpu.memref_squeeze %dma_wait3A_86 : memref<1x125x16xf32, #tpu.memory_space<vmem>> -> memref<125x16xf32, #tpu.memory_space<vmem>>
    %dma_wait3A_88 = arith.constant 0 : i32
    %dma_wait3A_89 = arith.constant 0 : i32
    %dma_wait3A_90 = tpu.memref_slice %arg4[%dma_wait3A_88, %dma_wait3A_89] : memref<625x16xf32, #tpu.memory_space<hbm>> -> memref<125x16xf32, #tpu.memory_space<hbm>>
    tpu.wait_dma2 semaphore(%dma_wait3A_83 : memref<!tpu.dma_semaphore, #tpu.memory_space<semaphore_mem>>) src(%dma_wait3A_90 : memref<125x16xf32, #tpu.memory_space<hbm>>) dst(%dma_wait3A_87 : memref<125x16xf32, #tpu.memory_space<vmem>>)
    %dma_wait3A_91 = arith.constant 2 : i32
    %dma_wait3A_92 = arith.constant 2 : i32
    %dma_wait3A_93 = arith.constant 0 : i32
    %dma_wait3A_94 = arith.constant 0 : i32
    %dma_wait3A_95 = tpu.memref_slice %arg8[%dma_wait3A_91, %dma_wait3A_93, %dma_wait3A_94] : memref<4x125x16xf32, #tpu.memory_space<vmem>> -> memref<1x125x16xf32, #tpu.memory_space<vmem>>
    %dma_wait3A_96 = tpu.memref_squeeze %dma_wait3A_95 : memref<1x125x16xf32, #tpu.memory_space<vmem>> -> memref<125x16xf32, #tpu.memory_space<vmem>>
    %dma_wait3A_97 = arith.constant 0 : i32
    %dma_wait3A_98 = arith.constant 0 : i32
    %dma_wait3A_99 = tpu.memref_slice %arg4[%dma_wait3A_97, %dma_wait3A_98] : memref<625x16xf32, #tpu.memory_space<hbm>> -> memref<125x16xf32, #tpu.memory_space<hbm>>
    %dma_wait3A_100 = tpu.memref_slice %arg12[%dma_wait3A_92] : memref<4x!tpu.dma_semaphore, #tpu.memory_space<semaphore_mem>> -> memref<1x!tpu.dma_semaphore, #tpu.memory_space<semaphore_mem>>
    %dma_wait3A_101 = tpu.memref_squeeze %dma_wait3A_100 : memref<1x!tpu.dma_semaphore, #tpu.memory_space<semaphore_mem>> -> memref<!tpu.dma_semaphore, #tpu.memory_space<semaphore_mem>>
    %dma_wait3A_102 = arith.constant 0 : i32
    %dma_wait3A_103 = arith.constant 0 : i32
    %dma_wait3A_104 = tpu.memref_slice %arg8[%dma_wait3A_91, %dma_wait3A_102, %dma_wait3A_103] : memref<4x125x16xf32, #tpu.memory_space<vmem>> -> memref<1x125x16xf32, #tpu.memory_space<vmem>>
    %dma_wait3A_105 = tpu.memref_squeeze %dma_wait3A_104 : memref<1x125x16xf32, #tpu.memory_space<vmem>> -> memref<125x16xf32, #tpu.memory_space<vmem>>
    %dma_wait3A_106 = arith.constant 0 : i32
    %dma_wait3A_107 = arith.constant 0 : i32
    %dma_wait3A_108 = tpu.memref_slice %arg4[%dma_wait3A_106, %dma_wait3A_107] : memref<625x16xf32, #tpu.memory_space<hbm>> -> memref<125x16xf32, #tpu.memory_space<hbm>>
    tpu.wait_dma2 semaphore(%dma_wait3A_101 : memref<!tpu.dma_semaphore, #tpu.memory_space<semaphore_mem>>) src(%dma_wait3A_108 : memref<125x16xf32, #tpu.memory_space<hbm>>) dst(%dma_wait3A_105 : memref<125x16xf32, #tpu.memory_space<vmem>>)
    %dma_wait3A_109 = arith.constant 3 : i32
    %dma_wait3A_110 = arith.constant 3 : i32
    %dma_wait3A_111 = arith.constant 0 : i32
    %dma_wait3A_112 = arith.constant 0 : i32
    %dma_wait3A_113 = tpu.memref_slice %arg8[%dma_wait3A_109, %dma_wait3A_111, %dma_wait3A_112] : memref<4x125x16xf32, #tpu.memory_space<vmem>> -> memref<1x125x16xf32, #tpu.memory_space<vmem>>
    %dma_wait3A_114 = tpu.memref_squeeze %dma_wait3A_113 : memref<1x125x16xf32, #tpu.memory_space<vmem>> -> memref<125x16xf32, #tpu.memory_space<vmem>>
    %dma_wait3A_115 = arith.constant 0 : i32
    %dma_wait3A_116 = arith.constant 0 : i32
    %dma_wait3A_117 = tpu.memref_slice %arg4[%dma_wait3A_115, %dma_wait3A_116] : memref<625x16xf32, #tpu.memory_space<hbm>> -> memref<125x16xf32, #tpu.memory_space<hbm>>
    %dma_wait3A_118 = tpu.memref_slice %arg12[%dma_wait3A_110] : memref<4x!tpu.dma_semaphore, #tpu.memory_space<semaphore_mem>> -> memref<1x!tpu.dma_semaphore, #tpu.memory_space<semaphore_mem>>
    %dma_wait3A_119 = tpu.memref_squeeze %dma_wait3A_118 : memref<1x!tpu.dma_semaphore, #tpu.memory_space<semaphore_mem>> -> memref<!tpu.dma_semaphore, #tpu.memory_space<semaphore_mem>>
    %dma_wait3A_120 = arith.constant 0 : i32
    %dma_wait3A_121 = arith.constant 0 : i32
    %dma_wait3A_122 = tpu.memref_slice %arg8[%dma_wait3A_109, %dma_wait3A_120, %dma_wait3A_121] : memref<4x125x16xf32, #tpu.memory_space<vmem>> -> memref<1x125x16xf32, #tpu.memory_space<vmem>>
    %dma_wait3A_123 = tpu.memref_squeeze %dma_wait3A_122 : memref<1x125x16xf32, #tpu.memory_space<vmem>> -> memref<125x16xf32, #tpu.memory_space<vmem>>
    %dma_wait3A_124 = arith.constant 0 : i32
    %dma_wait3A_125 = arith.constant 0 : i32
    %dma_wait3A_126 = tpu.memref_slice %arg4[%dma_wait3A_124, %dma_wait3A_125] : memref<625x16xf32, #tpu.memory_space<hbm>> -> memref<125x16xf32, #tpu.memory_space<hbm>>
    tpu.wait_dma2 semaphore(%dma_wait3A_119 : memref<!tpu.dma_semaphore, #tpu.memory_space<semaphore_mem>>) src(%dma_wait3A_126 : memref<125x16xf32, #tpu.memory_space<hbm>>) dst(%dma_wait3A_123 : memref<125x16xf32, #tpu.memory_space<vmem>>)
    %barrier3A_127 = arith.constant 0 : index
    tpu.barrier barrier_id(%barrier3A_127)
    %mul3A_128 = arith.constant 16 : i32
    %mul3A_129 = arith.muli %mul3A_128, %arg0 : i32
    "tpu.region"() ({
      %run_scoped3A_130 = tpu.sem_alloc : memref<!tpu.dma_semaphore, #tpu.memory_space<semaphore_mem>>
      %dma_start3A_131 = tpu.memref_slice %arg5[%mul3A_0, %mul3A_129] : memref<10000x32xf32, #tpu.memory_space<hbm>> -> memref<625x16xf32, #tpu.memory_space<hbm>>
      %dma_start3A_132 = arith.constant 0 : i32
      %dma_start3A_133 = tpu.memref_slice %arg10[%mul3A_0, %dma_start3A_132] : memref<10000x16xf32, #tpu.memory_space<vmem_shared>> -> memref<625x16xf32, #tpu.memory_space<vmem_shared>>
      tpu.enqueue_dma source(%dma_start3A_133 : memref<625x16xf32, #tpu.memory_space<vmem_shared>>) target(%dma_start3A_131 : memref<625x16xf32, #tpu.memory_space<hbm>>) target_semaphore(%run_scoped3A_130 : memref<!tpu.dma_semaphore, #tpu.memory_space<semaphore_mem>>)
      %dma_wait3A_134 = tpu.memref_slice %arg5[%mul3A_0, %mul3A_129] : memref<10000x32xf32, #tpu.memory_space<hbm>> -> memref<625x16xf32, #tpu.memory_space<hbm>>
      %dma_wait3A_135 = arith.constant 0 : i32
      %dma_wait3A_136 = tpu.memref_slice %arg10[%mul3A_0, %dma_wait3A_135] : memref<10000x16xf32, #tpu.memory_space<vmem_shared>> -> memref<625x16xf32, #tpu.memory_space<vmem_shared>>
      tpu.wait_dma2 semaphore(%run_scoped3A_130 : memref<!tpu.dma_semaphore, #tpu.memory_space<semaphore_mem>>) src(%dma_wait3A_136 : memref<625x16xf32, #tpu.memory_space<vmem_shared>>) dst(%dma_wait3A_134 : memref<625x16xf32, #tpu.memory_space<hbm>>)
      tpu.yield
    }) : () -> ()
    return
  }
}

module attributes {stable_mosaic.version = 14 : i64} {
  func.func @body(%arg0: memref<10000x128xf32, #tpu.memory_space<vmem>>, %arg1: memref<512x128xf32, #tpu.memory_space<vmem>>, %arg2: memref<2500x128xf32, #tpu.memory_space<vmem>>) attributes {dimension_semantics = [], scalar_prefetch = 0 : i64, scratch_operands = 0 : i64, tpu.core_type = #tpu.core_type<tc>} {
    %get3A = arith.constant 0 : index
    %get3A_0 = arith.constant 0 : index
    %get3A_1 = vector.load %arg0[%get3A, %get3A_0] : memref<10000x128xf32, #tpu.memory_space<vmem>>, vector<10000x128xf32>
    %reshape3A = vector.shape_cast %get3A_1 : vector<10000x128xf32> to vector<2500x512xf32>
    %get3A_2 = arith.constant 0 : index
    %get3A_3 = arith.constant 0 : index
    %get3A_4 = vector.load %arg1[%get3A_2, %get3A_3] : memref<512x128xf32, #tpu.memory_space<vmem>>, vector<512x128xf32>
    %dot_general3A = arith.constant dense<0.000000e+00> : vector<2500x128xf32>
    %dot_general3A_5 = tpu.matmul %reshape3A, %get3A_4, %dot_general3A {dimension_numbers = #tpu.dot_dimension_numbers<[1], [0], [0], [1], [0, 0, 1, 1], [], []>, transpose_lhs_hint = false} : vector<2500x512xf32>, vector<512x128xf32>, vector<2500x128xf32> -> vector<2500x128xf32>
    %swap3A = arith.constant 0 : index
    %swap3A_6 = arith.constant 0 : index
    %swap3A_7 = vector.load %arg2[%swap3A, %swap3A_6] : memref<2500x128xf32, #tpu.memory_space<vmem>>, vector<2500x128xf32>
    tpu.vector_store %arg2[%swap3A, %swap3A_6], %dot_general3A_5 {strides = array<i32>} : memref<2500x128xf32, #tpu.memory_space<vmem>>, vector<2500x128xf32>,
    return
  }
}

module attributes {stable_mosaic.version = 14 : i64} {
  func.func @body(%arg0: memref<2500x128xf32, #tpu.memory_space<vmem>>, %arg1: memref<2500x128xf32, #tpu.memory_space<vmem>>, %arg2: memref<1x128xf32, #tpu.memory_space<vmem>>, %arg3: memref<256x128xf32, #tpu.memory_space<vmem>>, %arg4: memref<1x128xf32, #tpu.memory_space<vmem>>, %arg5: memref<1250x128xf32, #tpu.memory_space<vmem>>) attributes {dimension_semantics = [], scalar_prefetch = 0 : i64, scratch_operands = 0 : i64, tpu.core_type = #tpu.core_type<tc>} {
    %get3A = arith.constant 0 : index
    %get3A_0 = arith.constant 0 : index
    %get3A_1 = vector.load %arg0[%get3A, %get3A_0] : memref<2500x128xf32, #tpu.memory_space<vmem>>, vector<2500x128xf32>
    %get3A_2 = arith.constant 0 : index
    %get3A_3 = arith.constant 0 : index
    %get3A_4 = vector.load %arg1[%get3A_2, %get3A_3] : memref<2500x128xf32, #tpu.memory_space<vmem>>, vector<2500x128xf32>
    %add3A = arith.addf %get3A_1, %get3A_4 : vector<2500x128xf32>
    %get3A_5 = arith.constant 0 : index
    %get3A_6 = arith.constant 0 : index
    %get3A_7 = vector.load %arg2[%get3A_5, %get3A_6] : memref<1x128xf32, #tpu.memory_space<vmem>>, vector<1x128xf32>
    %add3A_8 = vector.broadcast %get3A_7 : vector<1x128xf32> to vector<2500x128xf32>
    %add3A_9 = arith.addf %add3A, %add3A_8 : vector<2500x128xf32>
    %max3A = arith.constant 0.000000e+00 : f32
    %max3A_10 = vector.broadcast %max3A : f32 to vector<2500x128xf32>
    %max3A_11 = arith.maximumf %add3A_9, %max3A_10 : vector<2500x128xf32>
    %reshape3A = vector.shape_cast %max3A_11 : vector<2500x128xf32> to vector<1250x256xf32>
    %get3A_12 = arith.constant 0 : index
    %get3A_13 = arith.constant 0 : index
    %get3A_14 = vector.load %arg3[%get3A_12, %get3A_13] : memref<256x128xf32, #tpu.memory_space<vmem>>, vector<256x128xf32>
    %dot_general3A = arith.constant dense<0.000000e+00> : vector<1250x128xf32>
    %dot_general3A_15 = tpu.matmul %reshape3A, %get3A_14, %dot_general3A {dimension_numbers = #tpu.dot_dimension_numbers<[1], [0], [0], [1], [0, 0, 1, 1], [], []>, transpose_lhs_hint = false} : vector<1250x256xf32>, vector<256x128xf32>, vector<1250x128xf32> -> vector<1250x128xf32>
    %get3A_16 = arith.constant 0 : index
    %get3A_17 = arith.constant 0 : index
    %get3A_18 = vector.load %arg4[%get3A_16, %get3A_17] : memref<1x128xf32, #tpu.memory_space<vmem>>, vector<1x128xf32>
    %add3A_19 = vector.broadcast %get3A_18 : vector<1x128xf32> to vector<1250x128xf32>
    %add3A_20 = arith.addf %dot_general3A_15, %add3A_19 : vector<1250x128xf32>
    %max3A_21 = arith.constant 0.000000e+00 : f32
    %max3A_22 = vector.broadcast %max3A_21 : f32 to vector<1250x128xf32>
    %max3A_23 = arith.maximumf %add3A_20, %max3A_22 : vector<1250x128xf32>
    %swap3A = arith.constant 0 : index
    %swap3A_24 = arith.constant 0 : index
    %swap3A_25 = vector.load %arg5[%swap3A, %swap3A_24] : memref<1250x128xf32, #tpu.memory_space<vmem>>, vector<1250x128xf32>
    tpu.vector_store %arg5[%swap3A, %swap3A_24], %max3A_23 {strides = array<i32>} : memref<1250x128xf32, #tpu.memory_space<vmem>>, vector<1250x128xf32>,
    return
  }
}

module attributes {stable_mosaic.version = 14 : i64} {
  func.func @body(%arg0: memref<1250x128xf32, #tpu.memory_space<vmem>>, %arg1: memref<2500x128xf32, #tpu.memory_space<vmem>>, %arg2: memref<256x128xf32, #tpu.memory_space<vmem>>, %arg3: memref<128x256xf32, #tpu.memory_space<vmem>>, %arg4: memref<1x256xf32, #tpu.memory_space<vmem>>, %arg5: memref<256x128xf32, #tpu.memory_space<vmem>>, %arg6: memref<1x128xf32, #tpu.memory_space<vmem>>, %arg7: memref<128x256xf32, #tpu.memory_space<vmem>>, %arg8: memref<1x256xf32, #tpu.memory_space<vmem>>, %arg9: memref<256x128xf32, #tpu.memory_space<vmem>>, %arg10: memref<1x128xf32, #tpu.memory_space<vmem>>, %arg11: memref<1250x128xf32, #tpu.memory_space<vmem>>, %arg12: memref<1250x128xf32, #tpu.memory_space<vmem>>) attributes {dimension_semantics = [], scalar_prefetch = 0 : i64, scratch_operands = 0 : i64, tpu.core_type = #tpu.core_type<tc>} {
    %get3A = arith.constant 0 : index
    %get3A_0 = arith.constant 0 : index
    %get3A_1 = vector.load %arg1[%get3A, %get3A_0] : memref<2500x128xf32, #tpu.memory_space<vmem>>, vector<2500x128xf32>
    %reshape3A = vector.shape_cast %get3A_1 : vector<2500x128xf32> to vector<1250x256xf32>
    %get3A_2 = arith.constant 0 : index
    %get3A_3 = arith.constant 0 : index
    %get3A_4 = vector.load %arg0[%get3A_2, %get3A_3] : memref<1250x128xf32, #tpu.memory_space<vmem>>, vector<1250x128xf32>
    %get3A_5 = arith.constant 0 : index
    %get3A_6 = arith.constant 0 : index
    %get3A_7 = vector.load %arg2[%get3A_5, %get3A_6] : memref<256x128xf32, #tpu.memory_space<vmem>>, vector<256x128xf32>
    %dot_general3A = arith.constant dense<0.000000e+00> : vector<1250x128xf32>
    %dot_general3A_8 = tpu.matmul %reshape3A, %get3A_7, %dot_general3A {dimension_numbers = #tpu.dot_dimension_numbers<[1], [0], [0], [1], [0, 0, 1, 1], [], []>, transpose_lhs_hint = false} : vector<1250x256xf32>, vector<256x128xf32>, vector<1250x128xf32> -> vector<1250x128xf32>
    %add3A = arith.addf %get3A_4, %dot_general3A_8 : vector<1250x128xf32>
    %get3A_9 = arith.constant 0 : index
    %get3A_10 = arith.constant 0 : index
    %get3A_11 = vector.load %arg3[%get3A_9, %get3A_10] : memref<128x256xf32, #tpu.memory_space<vmem>>, vector<128x256xf32>
    %dot_general3A_12 = arith.constant dense<0.000000e+00> : vector<1250x256xf32>
    %dot_general3A_13 = tpu.matmul %add3A, %get3A_11, %dot_general3A_12 {dimension_numbers = #tpu.dot_dimension_numbers<[1], [0], [0], [1], [0, 0, 1, 1], [], []>, transpose_lhs_hint = false} : vector<1250x128xf32>, vector<128x256xf32>, vector<1250x256xf32> -> vector<1250x256xf32>
    %get3A_14 = arith.constant 0 : index
    %get3A_15 = arith.constant 0 : index
    %get3A_16 = vector.load %arg4[%get3A_14, %get3A_15] : memref<1x256xf32, #tpu.memory_space<vmem>>, vector<1x256xf32>
    %add3A_17 = vector.broadcast %get3A_16 : vector<1x256xf32> to vector<1250x256xf32>
    %add3A_18 = arith.addf %dot_general3A_13, %add3A_17 : vector<1250x256xf32>
    %max3A = arith.constant 0.000000e+00 : f32
    %max3A_19 = vector.broadcast %max3A : f32 to vector<1250x256xf32>
    %max3A_20 = arith.maximumf %add3A_18, %max3A_19 : vector<1250x256xf32>
    %get3A_21 = arith.constant 0 : index
    %get3A_22 = arith.constant 0 : index
    %get3A_23 = vector.load %arg5[%get3A_21, %get3A_22] : memref<256x128xf32, #tpu.memory_space<vmem>>, vector<256x128xf32>
    %dot_general3A_24 = arith.constant dense<0.000000e+00> : vector<1250x128xf32>
    %dot_general3A_25 = tpu.matmul %max3A_20, %get3A_23, %dot_general3A_24 {dimension_numbers = #tpu.dot_dimension_numbers<[1], [0], [0], [1], [0, 0, 1, 1], [], []>, transpose_lhs_hint = false} : vector<1250x256xf32>, vector<256x128xf32>, vector<1250x128xf32> -> vector<1250x128xf32>
    %get3A_26 = arith.constant 0 : index
    %get3A_27 = arith.constant 0 : index
    %get3A_28 = vector.load %arg6[%get3A_26, %get3A_27] : memref<1x128xf32, #tpu.memory_space<vmem>>, vector<1x128xf32>
    %add3A_29 = vector.broadcast %get3A_28 : vector<1x128xf32> to vector<1250x128xf32>
    %add3A_30 = arith.addf %dot_general3A_25, %add3A_29 : vector<1250x128xf32>
    %swap3A = arith.constant 0 : index
    %swap3A_31 = arith.constant 0 : index
    %swap3A_32 = vector.load %arg11[%swap3A, %swap3A_31] : memref<1250x128xf32, #tpu.memory_space<vmem>>, vector<1250x128xf32>
    tpu.vector_store %arg11[%swap3A, %swap3A_31], %add3A_30 {strides = array<i32>} : memref<1250x128xf32, #tpu.memory_space<vmem>>, vector<1250x128xf32>,
    %get3A_33 = arith.constant 0 : index
    %get3A_34 = arith.constant 0 : index
    %get3A_35 = vector.load %arg7[%get3A_33, %get3A_34] : memref<128x256xf32, #tpu.memory_space<vmem>>, vector<128x256xf32>
    %dot_general3A_36 = arith.constant dense<0.000000e+00> : vector<1250x256xf32>
    %dot_general3A_37 = tpu.matmul %add3A, %get3A_35, %dot_general3A_36 {dimension_numbers = #tpu.dot_dimension_numbers<[1], [0], [0], [1], [0, 0, 1, 1], [], []>, transpose_lhs_hint = false} : vector<1250x128xf32>, vector<128x256xf32>, vector<1250x256xf32> -> vector<1250x256xf32>
    %get3A_38 = arith.constant 0 : index
    %get3A_39 = arith.constant 0 : index
    %get3A_40 = vector.load %arg8[%get3A_38, %get3A_39] : memref<1x256xf32, #tpu.memory_space<vmem>>, vector<1x256xf32>
    %add3A_41 = vector.broadcast %get3A_40 : vector<1x256xf32> to vector<1250x256xf32>
    %add3A_42 = arith.addf %dot_general3A_37, %add3A_41 : vector<1250x256xf32>
    %max3A_43 = arith.constant 0.000000e+00 : f32
    %max3A_44 = vector.broadcast %max3A_43 : f32 to vector<1250x256xf32>
    %max3A_45 = arith.maximumf %add3A_42, %max3A_44 : vector<1250x256xf32>
    %get3A_46 = arith.constant 0 : index
    %get3A_47 = arith.constant 0 : index
    %get3A_48 = vector.load %arg9[%get3A_46, %get3A_47] : memref<256x128xf32, #tpu.memory_space<vmem>>, vector<256x128xf32>
    %dot_general3A_49 = arith.constant dense<0.000000e+00> : vector<1250x128xf32>
    %dot_general3A_50 = tpu.matmul %max3A_45, %get3A_48, %dot_general3A_49 {dimension_numbers = #tpu.dot_dimension_numbers<[1], [0], [0], [1], [0, 0, 1, 1], [], []>, transpose_lhs_hint = false} : vector<1250x256xf32>, vector<256x128xf32>, vector<1250x128xf32> -> vector<1250x128xf32>
    %get3A_51 = arith.constant 0 : index
    %get3A_52 = arith.constant 0 : index
    %get3A_53 = vector.load %arg10[%get3A_51, %get3A_52] : memref<1x128xf32, #tpu.memory_space<vmem>>, vector<1x128xf32>
    %add3A_54 = vector.broadcast %get3A_53 : vector<1x128xf32> to vector<1250x128xf32>
    %add3A_55 = arith.addf %dot_general3A_50, %add3A_54 : vector<1250x128xf32>
    %swap3A_56 = arith.constant 0 : index
    %swap3A_57 = arith.constant 0 : index
    %swap3A_58 = vector.load %arg12[%swap3A_56, %swap3A_57] : memref<1250x128xf32, #tpu.memory_space<vmem>>, vector<1250x128xf32>
    tpu.vector_store %arg12[%swap3A_56, %swap3A_57], %add3A_55 {strides = array<i32>} : memref<1250x128xf32, #tpu.memory_space<vmem>>, vector<1250x128xf32>,
    return
  }
}

</mosaic_0001>

<sc_bundles>
// kernel: kernel.10.cloned.1.call-start
scs
__scs_entry_jumppad:
0x0: {  	(pc) =	sbr.rel $0x88, $3  }
0x1: {  	(tag) =	ssettag $0x0;
	lr =	simm.s32 $0x1  }
0x2: {  	[smem:$0x3F93] =	sst lr;
	_ =	strace $0xD0000000  }
0x3: {  	_ = 	snop  }
0x4: {  	_ = 	snop  }
0x5: {  	_ = 	snop  }
0x6: {  	_ = 	snop  }
0x7: {  	_ = 	snop  }
__scs_overlays_trampoline_lowered:
0x8: {  	[smem:$0x3FA2] =	sst s0  }
0x9: {  	[smem:$0x3FA3] =	sst s1  }
0xa: {  	[smem:$0x3FA4] =	sst s2  }
0xb: {  	[smem:$0x3FA5] =	sst s3  }
0xc: {  	[smem:$0x3FA6] =	sst s4  }
0xd: {  	[smem:$0x3FA7] =	sst s5  }
0xe: {  	[smem:$0x3FA8] =	sst s6  }
0xf: {  	[smem:$0x3FA9] =	sst s7  }
0x10: {  	[smem:$0x3FAA] =	sst s8  }
0x11: {  	[smem:$0x3FAB] =	sst s9;
	s0 =	simm.s32 @!p0 $0x0  }
0x12: {  	s1 =	sld [smem:$0x3F91];
	s0 =	simm.s32 @p0 $0x1  }
0x13: {  	[smem:$0x3FAC] =	sst s0;
	s0 =	simm.s32 @!p1 $0x0  }
0x14: {  	s2 =	sld [smem:$0x3F90];
	s0 =	simm.s32 @p1 $0x1  }
0x15: {  	[smem:$0x3FAD] =	sst s0;
	s0 =	simm.s32 @!p2 $0x0  }
0x16: {  	s3 =	sld [smem:$0x3FDB];
	s0 =	simm.s32 @p2 $0x1  }
0x17: {  	s4 =	simm.s32 $0x1BF5;
	[smem:$0x3FAF] =	sst s0  }
0x18: {  	s0 =	sld [smem:$0x3F92];
	_ =	swait.ge [sflag:s4], $0x0  }
0x19: {  	s7 =	sld [smem:$0x3F93]  }
0x1a: {  	s8 =	sadd.s32 $0xFFFFE003, lr  }
0x1b: {  	s9 =	sadd.s32 $0xFFFFFEF7, lr;
	s5 =	simm.s32 $0xFFFFFFFF;
	p2 =	slt.u32 s8, $0xFFFFF086  }
0x1c: {  	p1 =	slt.u32 s9, $0xF7A;
	s5 =	simm.s32 @!p2 $0x0  }
0x1d: {  	s5 =	simm.s32 @p1 $0x1;
	p0 =	seq.s32 s7, s2  }
0x1e: {  	s7 =	smul.u32 @!p0 $0xF7A, s2;
	p2 =	seq.s32 @!p0 s5, $0x0  }
0x1f: {  	s9 =	smul.u32 $0xF7A, s1;
	s8 =	simm.s32 @!p0 $0x1BF5;
	p2 =	por !p2, p0  }
0x20: {  	[sflag:s8] =	ssyncset.s32 @!p0 $0xFFFFF086;
	s6 =	sadd.s32 @!p0 s3, s7;
	s7 =	simm.s32 @!p0 $0x108  }
0x21: {  	s3 =	sadd.s32 s3, s9;
	s6 =	sadd.s32 @!p0 $0x88, s6;
	s7 =	simm.s32 @p2 $0x1082  }
0x22: {  	[simem:s7], [sflag:s8] =	dma.local @!p0 [hbm:s6], $0xF7A  }
0x23: {  	s9 =	sor.u32 $0xD0000000, s2;
	s6 =	simm.s32 $0x108;
	_ =	swait.ge @!p0 [sflag:s8], $0x0  }
0x24: {  	s3 =	sadd.s32 $0x88, s3;
	s6 =	simm.s32 @!p1 $0x1082;
	[sflag:s4] =	ssyncset.s32 $0xFFFFF086  }
0x25: {  	[simem:s6], [sflag:s4] =	dma.local [hbm:s3], $0xF7A  }
0x26: {  	[smem:$0x3F93] =	sst s1;
	(tag) =	ssettag s2;
	_ =	strace s9  }
0x27: {  	s1 =	sld [smem:$0x3FA3]  }
0x28: {  	s2 =	sld [smem:$0x3FA4]  }
0x29: {  	s4 =	sld [smem:$0x3FA6]  }
0x2a: {  	p0 =	seq.s32 s5, $0x0;
	s5 =	sld [smem:$0x3FA7]  }
0x2b: {  	s6 =	sld [smem:$0x3FA8]  }
0x2c: {  	s7 =	sld [smem:$0x3FA9]  }
0x2d: {  	s3 =	simm.s32 $0x108;
	s8 =	sld [smem:$0x3FAA]  }
0x2e: {  	s3 =	simm.s32 @!p0 $0x1082;
	s9 =	sld [smem:$0x3FAB]  }
0x2f: {  	lr =	sadd.s32 s0, s3;
	s0 =	sld [smem:$0x3FA2]  }
0x30: {  	s3 =	sld [smem:$0x3FA5]  }
0x31: {  	[smem:$0x3FAE] =	sst s10  }
0x32: {  	s10 =	sld [smem:$0x3FAC];
	_ =	sdelay $0x3  }
0x33: {  	p0 =	seq.s32 s10, $0x1;
	s10 =	sld [smem:$0x3FAE];
	_ =	sdelay $0x3  }
0x34: {  	[smem:$0x3FAE] =	sst s10  }
0x35: {  	s10 =	sld [smem:$0x3FAD];
	_ =	sdelay $0x3  }
0x36: {  	p1 =	seq.s32 s10, $0x1;
	s10 =	sld [smem:$0x3FAE];
	_ =	sdelay $0x3  }
0x37: {  	[smem:$0x3FAE] =	sst s10  }
0x38: {  	s10 =	sld [smem:$0x3FAF]  }
0x39: {  	_ = 	snop;
	(pc) =	sbr.ind lr, $3  }
0x3a: {  	_ = 	snop  }
0x3b: {  	_ = 	snop  }
0x3c: {  	p2 =	seq.s32 s10, $0x1;
	s10 =	sld [smem:$0x3FAE]  }
0x3d: {  	_ =	shalt  }
0x3e: {  	_ =	shalt  }
0x3f: {  	_ =	shalt  }
0x40: {  	_ =	shalt  }
0x41: {  	_ =	shalt  }
0x42: {  	_ =	shalt  }
0x43: {  	_ =	shalt  }
0x44: {  	_ =	shalt  }
0x45: {  	_ =	shalt  }
0x46: {  	_ =	shalt  }
0x47: {  	_ =	shalt  }
0x48: {  	_ =	shalt  }
0x49: {  	_ =	shalt  }
0x4a: {  	_ =	shalt  }
0x4b: {  	_ =	shalt  }
0x4c: {  	_ =	shalt  }
0x4d: {  	_ =	shalt  }
0x4e: {  	_ =	shalt  }
0x4f: {  	_ =	shalt  }
0x50: {  	_ =	shalt  }
0x51: {  	_ =	shalt  }
0x52: {  	_ =	shalt  }
0x53: {  	_ =	shalt  }
0x54: {  	_ =	shalt  }
0x55: {  	_ =	shalt  }
0x56: {  	_ =	shalt  }
0x57: {  	_ =	shalt  }
0x58: {  	_ =	shalt  }
0x59: {  	_ =	shalt  }
0x5a: {  	_ =	shalt  }
0x5b: {  	_ =	shalt  }
0x5c: {  	_ =	shalt  }
0x5d: {  	_ =	shalt  }
0x5e: {  	_ =	shalt  }
0x5f: {  	_ =	shalt  }
0x60: {  	_ =	shalt  }
0x61: {  	_ =	shalt  }
0x62: {  	_ =	shalt  }
0x63: {  	_ =	shalt  }
0x64: {  	_ =	shalt  }
0x65: {  	_ =	shalt  }
0x66: {  	_ =	shalt  }
0x67: {  	_ =	shalt  }
0x68: {  	_ =	shalt  }
0x69: {  	_ =	shalt  }
0x6a: {  	_ =	shalt  }
0x6b: {  	_ =	shalt  }
0x6c: {  	_ =	shalt  }
0x6d: {  	_ =	shalt  }
0x6e: {  	_ =	shalt  }
0x6f: {  	_ =	shalt  }
0x70: {  	_ =	shalt  }
0x71: {  	_ =	shalt  }
0x72: {  	_ =	shalt  }
0x73: {  	_ =	shalt  }
0x74: {  	_ =	shalt  }
0x75: {  	_ =	shalt  }
0x76: {  	_ =	shalt  }
0x77: {  	_ =	shalt  }
0x78: {  	_ =	shalt  }
0x79: {  	_ =	shalt  }
0x7a: {  	_ =	shalt  }
0x7b: {  	_ =	shalt  }
0x7c: {  	_ =	shalt  }
0x7d: {  	_ =	shalt  }
0x7e: {  	_ =	shalt  }
0x7f: {  	_ =	shalt  }
0x80: {  	_ =	shalt  }
0x81: {  	_ =	shalt  }
0x82: {  	_ =	shalt  }
0x83: {  	_ =	shalt  }
0x84: {  	_ =	shalt  }
0x85: {  	_ =	shalt  }
0x86: {  	_ =	shalt  }
0x87: {  	_ =	shalt  }
.Lfunc_end0:
.L_simem_size_0:
called_computation.1_lowered:
.L_overlay_start_0:
0x88: {  	s2 =	sld [smem:$0x3FD9]  }
0x89: {  	s3 =	sld [smem:$0x3FFE];
	_ =	sdelay $0x1  }
0x8a: {  	s1 =	srdreg.scid  }
0x8b: {  	s0 =	sand.u32 $0x1, s1  }
0x8c: {  	s14 =	sshll.u32 s0, $0xA;
	s2 =	sadd.s32 s3, s2  }
0x8d: {  	s2 =	sadd.s32 s2, s14  }
0x8e: {  	[smem:$0x3FBA] =	sst s2  }
0x8f: {  	_ = 	snop  }
0x90: {  	s2 =	sld [smem:$0x3FD0];
	_ =	sdelay $0x2  }
0x91: {  	s15 =	simm.s32 $0xA;
	s4 =	simm.s32 $0x10  }
0x92: {  	[smem:s4], [sflag:s15] =	dma.local [hbm:s2], $0x1  }
0x93: {  	_ =	swait.eq [sflag:s15], $0x1  }
0x94: {  	[sflag:s15] =	ssyncset.done $0x0  }
0x95: {  	s16 =	sld [smem:$0x10];
	[sflag:s15] =	ssyncadd.s32 $0xFFFFFFFF  }
0x96: {  	s17 =	sld [smem:$0x11];
	(tm) =	ssettm $0x1  }
0x97: {  	s18 =	sld [smem:$0x3FFB];
	_ =	sdelay $0x3  }
0x98: {  	_ =	strace s18  }
0x99: {  	s4 =	sld [smem:$0x3FFC];
	_ =	sdelay $0x3  }
0x9a: {  	_ =	strace s4  }
0x9b: {  	s4 =	sld [smem:$0x3FFD];
	_ =	sdelay $0x3  }
0x9c: {  	_ =	strace s4  }
0x9d: {  	_ =	strace $0x8FFFFFFF  }
0x9e: {  	s19 =	sld [smem:$0x3FDB];
	_ =	sdelay $0x1  }
0x9f: {  	s5 =	simm.s32 $_scs_section_size  }
0xa0: {  	s6 =	simm.s32 $_size__tile_overlayer_lowered;
	s7 =	simm.s32 $_tile_overlayer_lowered  }
0xa1: {  	s22 =	simm.s32 $0x1BFF;
	s21 =	sshll.u32 s7, $0x1;
	s4 =	sadd.s32 s5, s19  }
0xa2: {  	s8 =	simm.s32 $0x0;
	s20 =	sshll.u32 s6, $0x1;
	s6 =	sadd.s32 s21, s4  }
0xa3: {  	[timem:s8], [sflag:s22] =	dma.local [hbm:s6], s20  }
0xa4: {  	_ =	swait.ge [sflag:s22], s20  }
0xa5: {  	s5 =	ssub.s32 $0x0, s20;
	[sflag:s22] =	ssyncset.done $0x0  }
0xa6: {  	[sflag:s22] =	ssyncadd.s32 s5;
	_ =	sdelay $0x1  }
0xa7: {  	s23 =	simm.s32 $0x1B8B  }
0xa8: {  	_ =	swait.ge [sflag:s23], $0x1  }
0xa9: {  	[sflag:s23] =	ssyncset.done $0x0  }
0xaa: {  	s25 =	simm.s32 $0x1B8E;
	s24 =	sld [smem:$0x3FFE];
	[sflag:s23] =	ssyncadd.s32 $0xFFFFFFFF  }
0xab: {  	s26 =	simm.s32 $execute0_lowered;
	[smem:$0x3FD2] =	sst s25  }
0xac: {  	s6 =	sshll.u32 s26, $0x1;
	_ =	strace $0x80000049;
	[dreg:$0x1] =	wrdreg $0xFFFFFFFF  }
0xad: {  	s28 =	simm.s32 $_size_execute0_lowered;
	s4 =	sadd.s32 s4, s6;
	[dreg:$0x0] =	wrdreg $0x0  }
0xae: {  	s6 =	sshll.u32 s28, $0x1;
	[dreg:$0x2] =	wrdreg s4  }
0xaf: {  	[dreg:$0x3] =	wrdreg s6  }
0xb0: {  	[dreg:$0x4] =	wrdreg $0xC0  }
0xb1: {  	_ =	task [dreg:s8], $0x5FFFF  }
0xb2: {  	[dreg:$0x1] =	wrdreg $0xFFFFFFFF  }
0xb3: {  	[dreg:$0x0] =	wrdreg $0x60  }
0xb4: {  	[dreg:$0x2] =	wrdreg s17  }
0xb5: {  	[dreg:$0x3] =	wrdreg s24  }
0xb6: {  	[dreg:$0x4] =	wrdreg s16  }
0xb7: {  	[dreg:$0x5] =	wrdreg $0x96500  }
0xb8: {  	[dreg:$0x6] =	wrdreg $0x6F400  }
0xb9: {  	[dreg:$0x7] =	wrdreg $0x9  }
0xba: {  	_ =	task.clear_ibuf [dreg:s8], $0x8FFFF;
	_ =	strace $0x90000049  }
0xbb: {  	s29 =	simm.s32 $0x9;
	_ =	strace $0x8000004B  }
0xbc: {  	_ =	swait.ge [sflag:s29], $0x1  }
0xbd: {  	[sflag:s29] =	ssyncadd.s32 $0xFFFFFFFF  }
0xbe: {  	_ =	strace $0x9000004B  }
0xbf: {  	_ =	sfence  }
0xc0: {  	s30 =	sld [smem:$0x0];
	_ =	sdelay $0x2  }
0xc1: {  	s31 =	sshll.u32 s1, $0xD;
	s1 =	sshrl.u32 s1, $0x2  }
0xc2: {  	s3 =	sand.u32 $0x4000, s31;
	s1 =	sadd.s32 s1, s30  }
0xc3: {  	s0 =	sor.u32 s3, s0;
	s1 =	sshll.u32 s1, $0x11  }
0xc4: {  	s0 =	sor.u32 s1, s0  }
0xc5: {  	s0 =	sadd.s32 $0x8F2B, s0  }
0xc6: {  	[sflag:s0] =	ssyncadd.remote.s32 $0x1  }
0xc7: {  	_ =	sfence.sel $0xFFFF  }
0xc8: {  	[dreg:$0x0] =	wrdreg $0xFFFFFFFF;
	(pc) =	sbr.abs _section_cstart, $3  }
0xc9: {  	[dreg:$0x1] =	wrdreg $0xFFFFFFFF  }
0xca: {  	_ =	task.clear_ibuf [dreg:s8], $0x2FFFF;
	_ =	strace $0x9FFFFFFF  }
0xcb: {  	(tm) =	ssettm $0x7FFFFFFF  }
tec
execute0_lowered:
.L_overlay_start_1:
0x0: {  	(tag) =	ssettag $0x1  }
0x1: {  	s0 =	rddreg [dreg:$0x0]  }
0x2: {  	s1 =	rddreg [dreg:$0x1];
	s2 =	srdreg.scid  }
0x3: {  	s10 =	stileid.u32;
	s3 =	rddreg [dreg:$0x3]  }
0x4: {  	s4 =	rddreg [dreg:$0x4];
	s13 =	simm.s32 $0x9;
	s15 =	simm.s32 $0x2800  }
0x5: {  	s16 =	simm.s32 $0x7D;
	s17 =	simm.s32 $0x5000;
	s19 =	simm.s32 $0x57D0  }
0x6: {  	s21 =	simm.s32 $0x5FA0;
	s22 =	simm.s32 $0x1;
	s28 =	simm.s32 $0x5  }
0x7: {  	s30 =	simm.s32 $0x3;
	s20 =	simm.s32 $0x7;
	s29 =	simm.s32 $0x8  }
0x8: {  	s18 =	simm.s32 $0x0;
	s2 =	sand.u32 $0x1, s2;
	s7 =	smul.u32 $0x4E20, s10  }
0x9: {  	s5 =	sshll.u32 s10, $0x1;
	s25 =	smul.u32 $0x2710, s10;
	s26 =	sshll.u32 s10, $0x6  }
0xa: {  	s6 =	sor.u32 s2, s5;
	s5 =	simm.s32 $0x0;
	s8 =	sshll.u32 s2, $0x4  }
0xb: {  	s2 =	ssub.s32 $0x2, s2;
	s6 =	smul.u32 $0x2800, s6;
	[smem:$0x7FF] =	sst s5  }
0xc: {  	s23 =	sor.u32 s8, s7;
	s24 =	sshrl.u32 s2, $0x1;
	s12 =	sadd.s32 s25, s3  }
0xd: {  	s31 =	sshrl.u32 s25, $0x3;
	s14 =	sadd.s32 s25, s4;
	s25 =	simm.s32 $0x2  }
0xe: {  	_ =	strace $0x8000004A;
	s2 =	ssub.s32 s2, s24;
	s7 =	sadd.s32 s0, s31  }
0xf: {  	s12 =	sshrl.u32 s12, $0x3;
	s14 =	sshrl.u32 s14, $0x3;
	s24 =	simm.s32 $0x6770  }
0x10: {  	s0 =	simm.s32 $0x2A80;
	s6 =	sshrl.u32 s6, $0x3;
	s11 =	smax.u32 s2, $0x1  }
0x11: {  	s2 =	simm.s32 $0x6;
	s9 =	sadd.s32 s6, s1;
	s6 =	sshrl.u32 s23, $0x3  }
0x12: {  	s1 =	sadd.s32 s6, s1;
	s6 =	sor.u32 $0x1C09, s26;
	s8 =	sadd.s32 $0x3600, s9  }
0x13: {  	s9 =	sadd.s32 $0xD600, s9;
	s10 =	sadd.s32 $0x17600, s1;
	s1 =	simm.s32 $0x4  }
.LBB2_1:
0x14: {  	s23 =	rddreg [dreg:$0x2]  }
0x15: {  	[spmem:s12], [sflag:s6] =	dma.local [hbm:s23], $0x4E2  }
0x16: {  	_ =	swait.ge [sflag:s13], $0x4E2  }
0x17: {  	[sflag:s13] =	ssyncset.done $0x0  }
0x18: {  	[sflag:s13] =	ssyncadd.s32 $0xFFFFFB1E  }
0x19: {  	[spmem:s14], [sflag:s6] =	dma.local [hbm:s7], $0x4E2  }
0x1a: {  	_ =	swait.ge [sflag:s13], $0x4E2  }
0x1b: {  	[sflag:s13] =	ssyncset.done $0x0  }
0x1c: {  	[sflag:s13] =	ssyncadd.s32 $0xFFFFFB1E  }
0x1d: {  	[tilespmem:s5], [sflag:$0x9] =	stream.linear.gather [hbm4b:s8+s5], $0x2800, $0x38;
	[tilespmem:$0xBD60] =	vst v63  }
0x1e: {  	_ =	swait.ge [sflag:s13], $0x2800  }
0x1f: {  	[sflag:s13] =	ssyncset.done $0x0  }
0x20: {  	[sflag:s13] =	ssyncadd.s32 $0xFFFFD800  }
0x21: {  	[tilespmem:s15], [sflag:$0x9] =	stream.linear.gather [hbm4b:s9+s5], $0x2800, $0x38;
	[tilespmem:$0xBD60] =	vst v63  }
0x22: {  	_ =	swait.ge [sflag:s13], $0x2800  }
0x23: {  	[sflag:s13] =	ssyncset.done $0x0  }
0x24: {  	[sflag:s13] =	ssyncadd.s32 $0xFFFFD800  }
0x25: {  	[bflag:$0x0] =	sbarrier.arrive $0xFFFF  }
0x26: {  	[tilespmem:s17], [sflag:$0x1] =	stream.indirect.gather [spmem:s4], $0x10, s5, s16, $0xb8;
	[tilespmem:$0xBD60] =	vst v63  }
0x27: {  	s26 =	simm.s32 $0x80  }
0x28: {  	[tilespmem:s19], [sflag:$0x2] =	stream.indirect.gather [spmem:s4], $0x10, s26, s16, $0xb8;
	[tilespmem:$0xBD60] =	vst v63  }
0x29: {  	s31 =	simm.s32 $0x100  }
0x2a: {  	[tilespmem:s21], [sflag:$0x3] =	stream.indirect.gather [spmem:s4], $0x10, s31, s16, $0xb8;
	[tilespmem:$0xBD60] =	vst v63  }
0x2b: {  	_ =	swait.ge [sflag:s22], $0x7D0  }
0x2c: {  	[sflag:s22] =	ssyncset.done $0x0  }
0x2d: {  	[sflag:s22] =	ssyncadd.s32 $0xFFFFF830  }
0x2e: {  	[spmem:s3] =	stream.indirect.scatter.add.f32 [tilespmem:s17], [sflag:$0x5], $0x10, s15, s16, $0xb8;
	[tilespmem:$0xBD60] =	vst v63  }
0x2f: {  	s26 =	simm.s32 $0x180  }
0x30: {  	[tilespmem:s24], [sflag:$0x4] =	stream.indirect.gather [spmem:s4], $0x10, s26, s16, $0xb8;
	[tilespmem:$0xBD60] =	vst v63  }
0x31: {  	_ =	swait.ge [sflag:s25], $0x7D0  }
0x32: {  	[sflag:s25] =	ssyncset.done $0x0  }
0x33: {  	s31 =	simm.s32 $0x2880;
	[sflag:s25] =	ssyncadd.s32 $0xFFFFF830  }
0x34: {  	[spmem:s3] =	stream.indirect.scatter.add.f32 [tilespmem:s19], [sflag:$0x6], $0x10, s31, s16, $0xb8;
	[tilespmem:$0xBD60] =	vst v63  }
0x35: {  	_ =	swait.ge [sflag:s28], $0x7D0  }
0x36: {  	[sflag:s28] =	ssyncset.done $0x0  }
0x37: {  	s26 =	simm.s32 $0x200;
	[sflag:s28] =	ssyncadd.s32 $0xFFFFF830  }
0x38: {  	[tilespmem:s17], [sflag:$0x1] =	stream.indirect.gather [spmem:s4], $0x10, s26, s16, $0xb8;
	[tilespmem:$0xBD60] =	vst v63  }
0x39: {  	_ =	swait.ge [sflag:s30], $0x7D0  }
0x3a: {  	[sflag:s30] =	ssyncset.done $0x0  }
0x3b: {  	s31 =	simm.s32 $0x2900;
	[sflag:s30] =	ssyncadd.s32 $0xFFFFF830  }
0x3c: {  	[spmem:s3] =	stream.indirect.scatter.add.f32 [tilespmem:s21], [sflag:$0x7], $0x10, s31, s16, $0xb8;
	[tilespmem:$0xBD60] =	vst v63  }
0x3d: {  	_ =	swait.ge [sflag:s2], $0x7D0  }
0x3e: {  	[sflag:s2] =	ssyncset.done $0x0  }
0x3f: {  	s26 =	simm.s32 $0x280;
	[sflag:s2] =	ssyncadd.s32 $0xFFFFF830  }
0x40: {  	[tilespmem:s19], [sflag:$0x2] =	stream.indirect.gather [spmem:s4], $0x10, s26, s16, $0xb8;
	[tilespmem:$0xBD60] =	vst v63  }
0x41: {  	_ =	swait.ge [sflag:s1], $0x7D0  }
0x42: {  	[sflag:s1] =	ssyncset.done $0x0  }
0x43: {  	s31 =	simm.s32 $0x2980;
	[sflag:s1] =	ssyncadd.s32 $0xFFFFF830  }
0x44: {  	[spmem:s3] =	stream.indirect.scatter.add.f32 [tilespmem:s24], [sflag:$0x8], $0x10, s31, s16, $0xb8;
	[tilespmem:$0xBD60] =	vst v63  }
0x45: {  	_ =	swait.ge [sflag:s20], $0x7D0  }
0x46: {  	[sflag:s20] =	ssyncset.done $0x0  }
0x47: {  	s26 =	simm.s32 $0x300;
	[sflag:s20] =	ssyncadd.s32 $0xFFFFF830  }
0x48: {  	[tilespmem:s21], [sflag:$0x3] =	stream.indirect.gather [spmem:s4], $0x10, s26, s16, $0xb8;
	[tilespmem:$0xBD60] =	vst v63  }
0x49: {  	_ =	swait.ge [sflag:s22], $0x7D0  }
0x4a: {  	[sflag:s22] =	ssyncset.done $0x0  }
0x4b: {  	s31 =	simm.s32 $0x2A00;
	[sflag:s22] =	ssyncadd.s32 $0xFFFFF830  }
0x4c: {  	[spmem:s3] =	stream.indirect.scatter.add.f32 [tilespmem:s17], [sflag:$0x5], $0x10, s31, s16, $0xb8;
	[tilespmem:$0xBD60] =	vst v63  }
0x4d: {  	_ =	swait.ge [sflag:s29], $0x7D0  }
0x4e: {  	[sflag:s29] =	ssyncset.done $0x0  }
0x4f: {  	s26 =	simm.s32 $0x380;
	[sflag:s29] =	ssyncadd.s32 $0xFFFFF830  }
0x50: {  	[tilespmem:s24], [sflag:$0x4] =	stream.indirect.gather [spmem:s4], $0x10, s26, s16, $0xb8;
	[tilespmem:$0xBD60] =	vst v63  }
0x51: {  	_ =	swait.ge [sflag:s25], $0x7D0  }
0x52: {  	[sflag:s25] =	ssyncset.done $0x0  }
0x53: {  	[sflag:s25] =	ssyncadd.s32 $0xFFFFF830  }
0x54: {  	[spmem:s3] =	stream.indirect.scatter.add.f32 [tilespmem:s19], [sflag:$0x6], $0x10, s0, s16, $0xb8;
	[tilespmem:$0xBD60] =	vst v63  }
0x55: {  	_ =	swait.ge [sflag:s28], $0x7D0  }
0x56: {  	[sflag:s28] =	ssyncset.done $0x0  }
0x57: {  	s31 =	simm.s32 $0x400;
	[sflag:s28] =	ssyncadd.s32 $0xFFFFF830  }
0x58: {  	[tilespmem:s17], [sflag:$0x1] =	stream.indirect.gather [spmem:s4], $0x10, s31, s16, $0xb8;
	[tilespmem:$0xBD60] =	vst v63  }
0x59: {  	_ =	swait.ge [sflag:s30], $0x7D0  }
0x5a: {  	[sflag:s30] =	ssyncset.done $0x0  }
0x5b: {  	s26 =	simm.s32 $0x2B00;
	[sflag:s30] =	ssyncadd.s32 $0xFFFFF830  }
0x5c: {  	[spmem:s3] =	stream.indirect.scatter.add.f32 [tilespmem:s21], [sflag:$0x7], $0x10, s26, s16, $0xb8;
	[tilespmem:$0xBD60] =	vst v63  }
0x5d: {  	_ =	swait.ge [sflag:s2], $0x7D0  }
0x5e: {  	[sflag:s2] =	ssyncset.done $0x0  }
0x5f: {  	s31 =	simm.s32 $0x480;
	[sflag:s2] =	ssyncadd.s32 $0xFFFFF830  }
0x60: {  	[tilespmem:s19], [sflag:$0x2] =	stream.indirect.gather [spmem:s4], $0x10, s31, s16, $0xb8;
	[tilespmem:$0xBD60] =	vst v63  }
0x61: {  	_ =	swait.ge [sflag:s1], $0x7D0  }
0x62: {  	[sflag:s1] =	ssyncset.done $0x0  }
0x63: {  	s26 =	simm.s32 $0x2B80;
	[sflag:s1] =	ssyncadd.s32 $0xFFFFF830  }
0x64: {  	[spmem:s3] =	stream.indirect.scatter.add.f32 [tilespmem:s24], [sflag:$0x8], $0x10, s26, s16, $0xb8;
	[tilespmem:$0xBD60] =	vst v63  }
0x65: {  	_ =	swait.ge [sflag:s20], $0x7D0  }
0x66: {  	[sflag:s20] =	ssyncset.done $0x0  }
0x67: {  	s31 =	simm.s32 $0x500;
	[sflag:s20] =	ssyncadd.s32 $0xFFFFF830  }
0x68: {  	[tilespmem:s21], [sflag:$0x3] =	stream.indirect.gather [spmem:s4], $0x10, s31, s16, $0xb8;
	[tilespmem:$0xBD60] =	vst v63  }
0x69: {  	_ =	swait.ge [sflag:s22], $0x7D0  }
0x6a: {  	[sflag:s22] =	ssyncset.done $0x0  }
0x6b: {  	s26 =	simm.s32 $0x2C00;
	[sflag:s22] =	ssyncadd.s32 $0xFFFFF830  }
0x6c: {  	[spmem:s3] =	stream.indirect.scatter.add.f32 [tilespmem:s17], [sflag:$0x5], $0x10, s26, s16, $0xb8;
	[tilespmem:$0xBD60] =	vst v63  }
0x6d: {  	_ =	swait.ge [sflag:s29], $0x7D0  }
0x6e: {  	[sflag:s29] =	ssyncset.done $0x0  }
0x6f: {  	s31 =	simm.s32 $0x580;
	[sflag:s29] =	ssyncadd.s32 $0xFFFFF830  }
0x70: {  	[tilespmem:s24], [sflag:$0x4] =	stream.indirect.gather [spmem:s4], $0x10, s31, s16, $0xb8;
	[tilespmem:$0xBD60] =	vst v63  }
0x71: {  	_ =	swait.ge [sflag:s25], $0x7D0  }
0x72: {  	[sflag:s25] =	ssyncset.done $0x0  }
0x73: {  	s23 =	simm.s32 $0x800;
	s26 =	simm.s32 $0x2C80;
	[sflag:s25] =	ssyncadd.s32 $0xFFFFF830  }
.LBB2_2:
0x74: {  	[spmem:s3] =	stream.indirect.scatter.add.f32 [tilespmem:s19], [sflag:$0x6], $0x10, s26, s16, $0xb8;
	[tilespmem:$0xBD60] =	vst v63  }
0x75: {  	s26 =	smov.u32 s23;
	s23 =	sadd.s32 $0x800, s23;
	_ =	swait.ge [sflag:s28], $0x7D0  }
0x76: {  	s26 =	sshra.s32 s26, $0x2;
	p0 =	sne.s32 s23, $0x9000;
	[sflag:s28] =	ssyncset.done $0x0  }
0x77: {  	s31 =	sadd.s32 $0x400, s26;
	[sflag:s28] =	ssyncadd.s32 $0xFFFFF830  }
0x78: {  	[tilespmem:s17], [sflag:$0x1] =	stream.indirect.gather [spmem:s4], $0x10, s31, s16, $0xb8;
	[tilespmem:$0xBD60] =	vst v63  }
0x79: {  	_ =	swait.ge [sflag:s30], $0x7D0  }
0x7a: {  	[sflag:s30] =	ssyncset.done $0x0  }
0x7b: {  	s31 =	sadd.s32 $0x2B00, s26;
	[sflag:s30] =	ssyncadd.s32 $0xFFFFF830  }
0x7c: {  	[spmem:s3] =	stream.indirect.scatter.add.f32 [tilespmem:s21], [sflag:$0x7], $0x10, s31, s16, $0xb8;
	[tilespmem:$0xBD60] =	vst v63  }
0x7d: {  	_ =	swait.ge [sflag:s2], $0x7D0  }
0x7e: {  	[sflag:s2] =	ssyncset.done $0x0  }
0x7f: {  	s31 =	sadd.s32 $0x480, s26;
	[sflag:s2] =	ssyncadd.s32 $0xFFFFF830  }
0x80: {  	[tilespmem:s19], [sflag:$0x2] =	stream.indirect.gather [spmem:s4], $0x10, s31, s16, $0xb8;
	[tilespmem:$0xBD60] =	vst v63  }
0x81: {  	_ =	swait.ge [sflag:s1], $0x7D0  }
0x82: {  	[sflag:s1] =	ssyncset.done $0x0  }
0x83: {  	s31 =	sadd.s32 $0x2B80, s26;
	[sflag:s1] =	ssyncadd.s32 $0xFFFFF830  }
0x84: {  	[spmem:s3] =	stream.indirect.scatter.add.f32 [tilespmem:s24], [sflag:$0x8], $0x10, s31, s16, $0xb8;
	[tilespmem:$0xBD60] =	vst v63  }
0x85: {  	_ =	swait.ge [sflag:s20], $0x7D0  }
0x86: {  	[sflag:s20] =	ssyncset.done $0x0  }
0x87: {  	s31 =	sadd.s32 $0x500, s26;
	[sflag:s20] =	ssyncadd.s32 $0xFFFFF830  }
0x88: {  	[tilespmem:s21], [sflag:$0x3] =	stream.indirect.gather [spmem:s4], $0x10, s31, s16, $0xb8;
	[tilespmem:$0xBD60] =	vst v63  }
0x89: {  	_ =	swait.ge [sflag:s22], $0x7D0  }
0x8a: {  	[sflag:s22] =	ssyncset.done $0x0  }
0x8b: {  	s31 =	sadd.s32 $0x2C00, s26;
	[sflag:s22] =	ssyncadd.s32 $0xFFFFF830  }
0x8c: {  	[spmem:s3] =	stream.indirect.scatter.add.f32 [tilespmem:s17], [sflag:$0x5], $0x10, s31, s16, $0xb8;
	[tilespmem:$0xBD60] =	vst v63  }
0x8d: {  	_ =	swait.ge [sflag:s29], $0x7D0  }
0x8e: {  	[sflag:s29] =	ssyncset.done $0x0  }
.Ltmp0:
0x8f: {  	s31 =	sadd.s32 $0x580, s26;
	[sflag:s29] =	ssyncadd.s32 $0xFFFFF830;
	(pc) =	sbr.rel @p0 .LBB2_2-.Ltmp0, $4  }
0x90: {  	[tilespmem:s24], [sflag:$0x4] =	stream.indirect.gather [spmem:s4], $0x10, s31, s16, $0xb8;
	[tilespmem:$0xBD60] =	vst v63  }
0x91: {  	_ =	swait.ge [sflag:s25], $0x7D0  }
0x92: {  	[sflag:s25] =	ssyncset.done $0x0  }
0x93: {  	s26 =	sadd.s32 $0x2C80, s26;
	[sflag:s25] =	ssyncadd.s32 $0xFFFFF830  }
0x94: {  	[spmem:s3] =	stream.indirect.scatter.add.f32 [tilespmem:s19], [sflag:$0x6], $0x10, s26, s16, $0xb8;
	[tilespmem:$0xBD60] =	vst v63  }
0x95: {  	_ =	swait.ge [sflag:s30], $0x7D0  }
0x96: {  	s23 =	sshra.s32 s23, $0x2;
	[sflag:s30] =	ssyncset.done $0x0  }
0x97: {  	s31 =	sadd.s32 $0x2B00, s23;
	[sflag:s30] =	ssyncadd.s32 $0xFFFFF830  }
0x98: {  	[spmem:s3] =	stream.indirect.scatter.add.f32 [tilespmem:s21], [sflag:$0x7], $0x10, s31, s16, $0xb8;
	[tilespmem:$0xBD60] =	vst v63  }
0x99: {  	_ =	swait.ge [sflag:s1], $0x7D0  }
0x9a: {  	[sflag:s1] =	ssyncset.done $0x0  }
0x9b: {  	s23 =	sadd.s32 $0x2B80, s23;
	[sflag:s1] =	ssyncadd.s32 $0xFFFFF830  }
0x9c: {  	[spmem:s3] =	stream.indirect.scatter.add.f32 [tilespmem:s24], [sflag:$0x8], $0x10, s23, s16, $0xb8;
	[tilespmem:$0xBD60] =	vst v63  }
0x9d: {  	_ =	swait.ge [sflag:s28], $0x7D0  }
0x9e: {  	[sflag:s28] =	ssyncset.done $0x0  }
0x9f: {  	[sflag:s28] =	ssyncadd.s32 $0xFFFFF830  }
0xa0: {  	_ =	swait.ge [sflag:s2], $0x7D0  }
0xa1: {  	[sflag:s2] =	ssyncset.done $0x0  }
0xa2: {  	[sflag:s2] =	ssyncadd.s32 $0xFFFFF830  }
0xa3: {  	_ =	swait.ge [sflag:s20], $0x7D0  }
0xa4: {  	[sflag:s20] =	ssyncset.done $0x0  }
0xa5: {  	[sflag:s20] =	ssyncadd.s32 $0xFFFFF830  }
0xa6: {  	_ =	swait.ge [sflag:s29], $0x7D0  }
0xa7: {  	s18 =	sadd.s32 $0x1, s18;
	[sflag:s29] =	ssyncset.done $0x0  }
0xa8: {  	p0 =	sne.s32 s18, s11;
	[sflag:s29] =	ssyncadd.s32 $0xFFFFF830  }
.Ltmp1:
0xa9: {  	[bflag:$0x0] =	sbarrier.arrive $0xFFFF;
	(pc) =	sbr.rel @p0 .LBB2_1-.Ltmp1, $4  }
0xaa: {  	[hbm:s10@s1], [sflag:s6] =	dma.strided [spmem:s12@s25], $0x4E2, s22, $0x2   }
0xab: {  	_ =	swait.ge [sflag:s13], $0x4E2  }
0xac: {  	[sflag:s13] =	ssyncset.done $0x0  }
0xad: {  	[sflag:s13] =	ssyncadd.s32 $0xFFFFFB1E  }
0xae: {  	_ =	sfence.sel $0x180000  }
0xaf: {  	[bflag:$0x0] =	sbarrier.arrive $0xFFFF  }
0xb0: {  	_ =	strace $0x9000004A  }
0xb1: {  	s0 =	stileid.u32;
	[bflag:$0x2] =	sbarrier.arrive $0xFFFF  }
0xb2: {  	p0 =	sne.s32 s0, $0x0;
	s0 =	rddreg [dreg:$0x5]  }
0xb3: {  	s0 =	sadd.s32 @!p0 $0x100000, s0  }
0xb4: {  	[sflag:s0] =	ssyncadd.tile.s32 @!p0 $0x1;
	_ =	shalt  }
.Lfunc_end2:
_tile_overlayer_lowered:
.L_overlay_start_2:
0xb5: {  	(tag) =	ssettag $0x2  }
0xb6: {  	s0 =	rddreg [dreg:$0x0];
	s2 =	stileid.u32  }
0xb7: {  	s1 =	rddreg [dreg:$0x1];
	p0 =	sne.s32 s2, $0x0  }
0xb8: {  	s3 =	rddreg [dreg:$0x2];
	[bflag:$0x3] =	sbarrier.arrive $0xFFFF;
	s2 =	simm.s32 @!p0 $0x1C09  }
0xb9: {  	[timem:s3], [sflag:s2] =	dma.local @!p0 [hbm:s0], s1  }
0xba: {  	s0 =	simm.s32 @!p0 $0x9  }
0xbb: {  	_ =	swait.ge @!p0 [sflag:s0], s1  }
0xbc: {  	s1 =	ssub.s32 @!p0 $0x0, s1;
	[sflag:s0] =	ssyncset.done @!p0 $0x0  }
0xbd: {  	[sflag:s0] =	ssyncadd.s32 @!p0 s1  }
0xbe: {  	[bflag:$0x3] =	sbarrier.arrive $0xFFFF  }
0xbf: {  	_ =	shalt  }

// kernel: kernel.7.cloned.1.call-start
scs
__scs_entry_jumppad:
0x0: {  	(pc) =	sbr.rel $0x88, $3  }
0x1: {  	(tag) =	ssettag $0x0;
	lr =	simm.s32 $0x1  }
0x2: {  	[smem:$0x3F93] =	sst lr;
	_ =	strace $0xD0000000  }
0x3: {  	_ = 	snop  }
0x4: {  	_ = 	snop  }
0x5: {  	_ = 	snop  }
0x6: {  	_ = 	snop  }
0x7: {  	_ = 	snop  }
__scs_overlays_trampoline_lowered:
0x8: {  	[smem:$0x3FA2] =	sst s0  }
0x9: {  	[smem:$0x3FA3] =	sst s1  }
0xa: {  	[smem:$0x3FA4] =	sst s2  }
0xb: {  	[smem:$0x3FA5] =	sst s3  }
0xc: {  	[smem:$0x3FA6] =	sst s4  }
0xd: {  	[smem:$0x3FA7] =	sst s5  }
0xe: {  	[smem:$0x3FA8] =	sst s6  }
0xf: {  	[smem:$0x3FA9] =	sst s7  }
0x10: {  	[smem:$0x3FAA] =	sst s8  }
0x11: {  	[smem:$0x3FAB] =	sst s9;
	s0 =	simm.s32 @!p0 $0x0  }
0x12: {  	s1 =	sld [smem:$0x3F91];
	s0 =	simm.s32 @p0 $0x1  }
0x13: {  	[smem:$0x3FAC] =	sst s0;
	s0 =	simm.s32 @!p1 $0x0  }
0x14: {  	s2 =	sld [smem:$0x3F90];
	s0 =	simm.s32 @p1 $0x1  }
0x15: {  	[smem:$0x3FAD] =	sst s0;
	s0 =	simm.s32 @!p2 $0x0  }
0x16: {  	s3 =	sld [smem:$0x3FDB];
	s0 =	simm.s32 @p2 $0x1  }
0x17: {  	s4 =	simm.s32 $0x1BF5;
	[smem:$0x3FAF] =	sst s0  }
0x18: {  	s0 =	sld [smem:$0x3F92];
	_ =	swait.ge [sflag:s4], $0x0  }
0x19: {  	s7 =	sld [smem:$0x3F93]  }
0x1a: {  	s8 =	sadd.s32 $0xFFFFE003, lr  }
0x1b: {  	s9 =	sadd.s32 $0xFFFFFEF7, lr;
	s5 =	simm.s32 $0xFFFFFFFF;
	p2 =	slt.u32 s8, $0xFFFFF086  }
0x1c: {  	p1 =	slt.u32 s9, $0xF7A;
	s5 =	simm.s32 @!p2 $0x0  }
0x1d: {  	s5 =	simm.s32 @p1 $0x1;
	p0 =	seq.s32 s7, s2  }
0x1e: {  	s7 =	smul.u32 @!p0 $0xF7A, s2;
	p2 =	seq.s32 @!p0 s5, $0x0  }
0x1f: {  	s9 =	smul.u32 $0xF7A, s1;
	s8 =	simm.s32 @!p0 $0x1BF5;
	p2 =	por !p2, p0  }
0x20: {  	[sflag:s8] =	ssyncset.s32 @!p0 $0xFFFFF086;
	s6 =	sadd.s32 @!p0 s3, s7;
	s7 =	simm.s32 @!p0 $0x108  }
0x21: {  	s3 =	sadd.s32 s3, s9;
	s6 =	sadd.s32 @!p0 $0x88, s6;
	s7 =	simm.s32 @p2 $0x1082  }
0x22: {  	[simem:s7], [sflag:s8] =	dma.local @!p0 [hbm:s6], $0xF7A  }
0x23: {  	s9 =	sor.u32 $0xD0000000, s2;
	s6 =	simm.s32 $0x108;
	_ =	swait.ge @!p0 [sflag:s8], $0x0  }
0x24: {  	s3 =	sadd.s32 $0x88, s3;
	s6 =	simm.s32 @!p1 $0x1082;
	[sflag:s4] =	ssyncset.s32 $0xFFFFF086  }
0x25: {  	[simem:s6], [sflag:s4] =	dma.local [hbm:s3], $0xF7A  }
0x26: {  	[smem:$0x3F93] =	sst s1;
	(tag) =	ssettag s2;
	_ =	strace s9  }
0x27: {  	s1 =	sld [smem:$0x3FA3]  }
0x28: {  	s2 =	sld [smem:$0x3FA4]  }
0x29: {  	s4 =	sld [smem:$0x3FA6]  }
0x2a: {  	p0 =	seq.s32 s5, $0x0;
	s5 =	sld [smem:$0x3FA7]  }
0x2b: {  	s6 =	sld [smem:$0x3FA8]  }
0x2c: {  	s7 =	sld [smem:$0x3FA9]  }
0x2d: {  	s3 =	simm.s32 $0x108;
	s8 =	sld [smem:$0x3FAA]  }
0x2e: {  	s3 =	simm.s32 @!p0 $0x1082;
	s9 =	sld [smem:$0x3FAB]  }
0x2f: {  	lr =	sadd.s32 s0, s3;
	s0 =	sld [smem:$0x3FA2]  }
0x30: {  	s3 =	sld [smem:$0x3FA5]  }
0x31: {  	[smem:$0x3FAE] =	sst s10  }
0x32: {  	s10 =	sld [smem:$0x3FAC];
	_ =	sdelay $0x3  }
0x33: {  	p0 =	seq.s32 s10, $0x1;
	s10 =	sld [smem:$0x3FAE];
	_ =	sdelay $0x3  }
0x34: {  	[smem:$0x3FAE] =	sst s10  }
0x35: {  	s10 =	sld [smem:$0x3FAD];
	_ =	sdelay $0x3  }
0x36: {  	p1 =	seq.s32 s10, $0x1;
	s10 =	sld [smem:$0x3FAE];
	_ =	sdelay $0x3  }
0x37: {  	[smem:$0x3FAE] =	sst s10  }
0x38: {  	s10 =	sld [smem:$0x3FAF]  }
0x39: {  	_ = 	snop;
	(pc) =	sbr.ind lr, $3  }
0x3a: {  	_ = 	snop  }
0x3b: {  	_ = 	snop  }
0x3c: {  	p2 =	seq.s32 s10, $0x1;
	s10 =	sld [smem:$0x3FAE]  }
0x3d: {  	_ =	shalt  }
0x3e: {  	_ =	shalt  }
0x3f: {  	_ =	shalt  }
0x40: {  	_ =	shalt  }
0x41: {  	_ =	shalt  }
0x42: {  	_ =	shalt  }
0x43: {  	_ =	shalt  }
0x44: {  	_ =	shalt  }
0x45: {  	_ =	shalt  }
0x46: {  	_ =	shalt  }
0x47: {  	_ =	shalt  }
0x48: {  	_ =	shalt  }
0x49: {  	_ =	shalt  }
0x4a: {  	_ =	shalt  }
0x4b: {  	_ =	shalt  }
0x4c: {  	_ =	shalt  }
0x4d: {  	_ =	shalt  }
0x4e: {  	_ =	shalt  }
0x4f: {  	_ =	shalt  }
0x50: {  	_ =	shalt  }
0x51: {  	_ =	shalt  }
0x52: {  	_ =	shalt  }
0x53: {  	_ =	shalt  }
0x54: {  	_ =	shalt  }
0x55: {  	_ =	shalt  }
0x56: {  	_ =	shalt  }
0x57: {  	_ =	shalt  }
0x58: {  	_ =	shalt  }
0x59: {  	_ =	shalt  }
0x5a: {  	_ =	shalt  }
0x5b: {  	_ =	shalt  }
0x5c: {  	_ =	shalt  }
0x5d: {  	_ =	shalt  }
0x5e: {  	_ =	shalt  }
0x5f: {  	_ =	shalt  }
0x60: {  	_ =	shalt  }
0x61: {  	_ =	shalt  }
0x62: {  	_ =	shalt  }
0x63: {  	_ =	shalt  }
0x64: {  	_ =	shalt  }
0x65: {  	_ =	shalt  }
0x66: {  	_ =	shalt  }
0x67: {  	_ =	shalt  }
0x68: {  	_ =	shalt  }
0x69: {  	_ =	shalt  }
0x6a: {  	_ =	shalt  }
0x6b: {  	_ =	shalt  }
0x6c: {  	_ =	shalt  }
0x6d: {  	_ =	shalt  }
0x6e: {  	_ =	shalt  }
0x6f: {  	_ =	shalt  }
0x70: {  	_ =	shalt  }
0x71: {  	_ =	shalt  }
0x72: {  	_ =	shalt  }
0x73: {  	_ =	shalt  }
0x74: {  	_ =	shalt  }
0x75: {  	_ =	shalt  }
0x76: {  	_ =	shalt  }
0x77: {  	_ =	shalt  }
0x78: {  	_ =	shalt  }
0x79: {  	_ =	shalt  }
0x7a: {  	_ =	shalt  }
0x7b: {  	_ =	shalt  }
0x7c: {  	_ =	shalt  }
0x7d: {  	_ =	shalt  }
0x7e: {  	_ =	shalt  }
0x7f: {  	_ =	shalt  }
0x80: {  	_ =	shalt  }
0x81: {  	_ =	shalt  }
0x82: {  	_ =	shalt  }
0x83: {  	_ =	shalt  }
0x84: {  	_ =	shalt  }
0x85: {  	_ =	shalt  }
0x86: {  	_ =	shalt  }
0x87: {  	_ =	shalt  }
.Lfunc_end0:
.L_simem_size_0:
called_computation_lowered:
.L_overlay_start_0:
0x88: {  	s2 =	sld [smem:$0x3FD9]  }
0x89: {  	s3 =	sld [smem:$0x3FFE];
	_ =	sdelay $0x1  }
0x8a: {  	s1 =	srdreg.scid  }
0x8b: {  	s0 =	sand.u32 $0x1, s1  }
0x8c: {  	s14 =	sshll.u32 s0, $0xA;
	s2 =	sadd.s32 s3, s2  }
0x8d: {  	s2 =	sadd.s32 s2, s14  }
0x8e: {  	[smem:$0x3FBA] =	sst s2  }
0x8f: {  	_ = 	snop  }
0x90: {  	s2 =	sld [smem:$0x3FD0];
	_ =	sdelay $0x2  }
0x91: {  	s15 =	simm.s32 $0xA;
	s4 =	simm.s32 $0x10  }
0x92: {  	[smem:s4], [sflag:s15] =	dma.local [hbm:s2], $0x1  }
0x93: {  	_ =	swait.eq [sflag:s15], $0x1  }
0x94: {  	[sflag:s15] =	ssyncset.done $0x0  }
0x95: {  	[sflag:s15] =	ssyncadd.s32 $0xFFFFFFFF  }
0x96: {  	s16 =	sld [smem:$0x10];
	(tm) =	ssettm $0x1  }
0x97: {  	s17 =	sld [smem:$0x3FFB];
	_ =	sdelay $0x3  }
0x98: {  	_ =	strace s17  }
0x99: {  	s3 =	sld [smem:$0x3FFC];
	_ =	sdelay $0x3  }
0x9a: {  	_ =	strace s3  }
0x9b: {  	s3 =	sld [smem:$0x3FFD];
	_ =	sdelay $0x3  }
0x9c: {  	_ =	strace s3  }
0x9d: {  	_ =	strace $0x8FFFFFFF  }
0x9e: {  	s18 =	sld [smem:$0x3FDB];
	_ =	sdelay $0x1  }
0x9f: {  	s19 =	simm.s32 $_scs_section_size  }
0xa0: {  	s5 =	simm.s32 $_size__tile_overlayer_lowered;
	s6 =	simm.s32 $_tile_overlayer_lowered  }
0xa1: {  	s22 =	simm.s32 $0x1BFF;
	s21 =	sshll.u32 s6, $0x1;
	s3 =	sadd.s32 s19, s18  }
0xa2: {  	s7 =	simm.s32 $0x0;
	s20 =	sshll.u32 s5, $0x1;
	s5 =	sadd.s32 s21, s3  }
0xa3: {  	[timem:s7], [sflag:s22] =	dma.local [hbm:s5], s20  }
0xa4: {  	_ =	swait.ge [sflag:s22], s20  }
0xa5: {  	s4 =	ssub.s32 $0x0, s20;
	[sflag:s22] =	ssyncset.done $0x0  }
0xa6: {  	[sflag:s22] =	ssyncadd.s32 s4;
	_ =	sdelay $0x1  }
0xa7: {  	s23 =	simm.s32 $0x1B8B  }
0xa8: {  	_ =	swait.ge [sflag:s23], $0x1  }
0xa9: {  	[sflag:s23] =	ssyncset.done $0x0  }
0xaa: {  	s25 =	simm.s32 $0x1B8E;
	s24 =	sld [smem:$0x3FFE];
	[sflag:s23] =	ssyncadd.s32 $0xFFFFFFFF  }
0xab: {  	s26 =	simm.s32 $execute0_lowered;
	[smem:$0x3FD2] =	sst s25  }
0xac: {  	s5 =	sshll.u32 s26, $0x1;
	_ =	strace $0x80000046;
	[dreg:$0x1] =	wrdreg $0xFFFFFFFF  }
0xad: {  	s28 =	simm.s32 $_size_execute0_lowered;
	s3 =	sadd.s32 s3, s5;
	[dreg:$0x0] =	wrdreg $0x0  }
0xae: {  	s5 =	sshll.u32 s28, $0x1;
	[dreg:$0x2] =	wrdreg s3  }
0xaf: {  	[dreg:$0x3] =	wrdreg s5  }
0xb0: {  	[dreg:$0x4] =	wrdreg $0xC0  }
0xb1: {  	_ =	task [dreg:s7], $0x5FFFF  }
0xb2: {  	[dreg:$0x1] =	wrdreg $0xFFFFFFFF  }
0xb3: {  	[dreg:$0x0] =	wrdreg $0x60  }
0xb4: {  	[dreg:$0x2] =	wrdreg s24  }
0xb5: {  	[dreg:$0x3] =	wrdreg s16  }
0xb6: {  	[dreg:$0x4] =	wrdreg $0xE6500  }
0xb7: {  	[dreg:$0x5] =	wrdreg $0xBF400  }
0xb8: {  	[dreg:$0x6] =	wrdreg $0x9  }
0xb9: {  	_ =	task.clear_ibuf [dreg:s7], $0x7FFFF;
	_ =	strace $0x90000046  }
0xba: {  	s29 =	simm.s32 $0x9;
	_ =	strace $0x80000048  }
0xbb: {  	_ =	swait.ge [sflag:s29], $0x1  }
0xbc: {  	[sflag:s29] =	ssyncadd.s32 $0xFFFFFFFF  }
0xbd: {  	_ =	strace $0x90000048  }
0xbe: {  	_ =	sfence  }
0xbf: {  	s30 =	sld [smem:$0x0];
	_ =	sdelay $0x2  }
0xc0: {  	s31 =	sshll.u32 s1, $0xD;
	s1 =	sshrl.u32 s1, $0x2  }
0xc1: {  	s3 =	sand.u32 $0x4000, s31;
	s1 =	sadd.s32 s1, s30  }
0xc2: {  	s0 =	sor.u32 s3, s0;
	s1 =	sshll.u32 s1, $0x11  }
0xc3: {  	s0 =	sor.u32 s1, s0  }
0xc4: {  	s0 =	sadd.s32 $0x8F2B, s0  }
0xc5: {  	[sflag:s0] =	ssyncadd.remote.s32 $0x1  }
0xc6: {  	_ =	sfence.sel $0xFFFF  }
0xc7: {  	[dreg:$0x0] =	wrdreg $0xFFFFFFFF;
	(pc) =	sbr.abs _section_cstart, $3  }
0xc8: {  	[dreg:$0x1] =	wrdreg $0xFFFFFFFF  }
0xc9: {  	_ =	task.clear_ibuf [dreg:s7], $0x2FFFF;
	_ =	strace $0x9FFFFFFF  }
0xca: {  	(tm) =	ssettm $0x7FFFFFFF  }
0xcb: {  	_ =	shalt  }
tec
execute0_lowered:
.L_overlay_start_1:
0x0: {  	(tag) =	ssettag $0x1  }
0x1: {  	s0 =	rddreg [dreg:$0x0]  }
0x2: {  	s3 =	rddreg [dreg:$0x2]  }
0x3: {  	s4 =	rddreg [dreg:$0x3];
	s8 =	stileid.u32  }
0x4: {  	s2 =	srdreg.scid;
	s5 =	simm.s32 $0x0;
	s13 =	simm.s32 $0x9  }
0x5: {  	s15 =	simm.s32 $0x1;
	s16 =	simm.s32 $0x2;
	s17 =	simm.s32 $0x4  }
0x6: {  	s18 =	simm.s32 $0x5000;
	s19 =	simm.s32 $0x7D;
	s20 =	simm.s32 $0xA000  }
0x7: {  	s22 =	simm.s32 $0xA7D0;
	s24 =	simm.s32 $0xAFA0;
	s29 =	simm.s32 $0x5  }
0x8: {  	s31 =	simm.s32 $0x3;
	s23 =	simm.s32 $0x7;
	s1 =	smul.u32 $0x5000, s8  }
0x9: {  	s30 =	simm.s32 $0x8;
	s21 =	simm.s32 $0x0;
	s6 =	smul.u32 $0x4E20, s8  }
0xa: {  	s2 =	sand.u32 $0x1, s2;
	[smem:$0x7FF] =	sst s5;
	s26 =	smul.u32 $0x2710, s8  }
0xb: {  	s8 =	sshll.u32 s8, $0x6;
	s7 =	sshll.u32 s2, $0x4;
	_ =	strace $0x80000047  }
0xc: {  	s2 =	ssub.s32 $0x2, s2;
	s1 =	sshrl.u32 s1, $0x3;
	s6 =	sor.u32 s7, s6  }
0xd: {  	s28 =	sshrl.u32 s2, $0x1;
	s12 =	sadd.s32 s26, s3;
	s14 =	sadd.s32 s26, s4  }
0xe: {  	s26 =	simm.s32 $0xB770;
	s1 =	sadd.s32 s1, s0;
	s6 =	sshrl.u32 s6, $0x3  }
0xf: {  	s2 =	ssub.s32 s2, s28;
	s12 =	sshrl.u32 s12, $0x3;
	s14 =	sshrl.u32 s14, $0x3  }
0x10: {  	s0 =	sadd.s32 s6, s0;
	s6 =	sor.u32 $0x1C09, s8;
	s8 =	sadd.s32 $0x3600, s1  }
0x11: {  	s9 =	sadd.s32 $0xD600, s1;
	s11 =	smax.u32 s2, $0x1;
	s1 =	simm.s32 $0x6  }
0x12: {  	s2 =	simm.s32 $0x5280;
	s7 =	sadd.s32 $0x17600, s0;
	s10 =	sadd.s32 $0x21400, s0  }
.LBB2_1:
0x13: {  	s0 =	rddreg [dreg:$0x1]  }
0x14: {  	[spmem:s12], [sflag:s6] =	dma.local [hbm:s0], $0x4E2  }
0x15: {  	_ =	swait.ge [sflag:s13], $0x4E2  }
0x16: {  	[sflag:s13] =	ssyncset.done $0x0  }
0x17: {  	[sflag:s13] =	ssyncadd.s32 $0xFFFFFB1E  }
0x18: {  	[spmem:s14@s16], [sflag:s6] =	dma.strided [hbm:s7@s17], $0x4E2, s15, $0x2   }
0x19: {  	_ =	swait.ge [sflag:s13], $0x4E2  }
0x1a: {  	[sflag:s13] =	ssyncset.done $0x0  }
0x1b: {  	[sflag:s13] =	ssyncadd.s32 $0xFFFFFB1E  }
0x1c: {  	[tilespmem:s5], [sflag:$0x9] =	stream.linear.gather [hbm4b:s8+s5], $0x5000, $0x38;
	[tilespmem:$0x10D60] =	vst v63  }
0x1d: {  	_ =	swait.ge [sflag:s13], $0x5000  }
0x1e: {  	[sflag:s13] =	ssyncset.done $0x0  }
0x1f: {  	[sflag:s13] =	ssyncadd.s32 $0xFFFFB000  }
0x20: {  	[tilespmem:s18], [sflag:$0x9] =	stream.linear.gather [hbm4b:s9+s5], $0x5000, $0x38;
	[tilespmem:$0x10D60] =	vst v63  }
0x21: {  	_ =	swait.ge [sflag:s13], $0x5000  }
0x22: {  	[sflag:s13] =	ssyncset.done $0x0  }
0x23: {  	[sflag:s13] =	ssyncadd.s32 $0xFFFFB000  }
0x24: {  	[bflag:$0x0] =	sbarrier.arrive $0xFFFF  }
0x25: {  	[tilespmem:s20], [sflag:$0x1] =	stream.indirect.gather [spmem:s4], $0x10, s5, s19, $0xb8;
	[tilespmem:$0x10D60] =	vst v63  }
0x26: {  	s25 =	simm.s32 $0x80  }
0x27: {  	[tilespmem:s22], [sflag:$0x2] =	stream.indirect.gather [spmem:s4], $0x10, s25, s19, $0xb8;
	[tilespmem:$0x10D60] =	vst v63  }
0x28: {  	s25 =	simm.s32 $0x100  }
0x29: {  	[tilespmem:s24], [sflag:$0x3] =	stream.indirect.gather [spmem:s4], $0x10, s25, s19, $0xb8;
	[tilespmem:$0x10D60] =	vst v63  }
0x2a: {  	_ =	swait.ge [sflag:s15], $0x7D0  }
0x2b: {  	[sflag:s15] =	ssyncset.done $0x0  }
0x2c: {  	[sflag:s15] =	ssyncadd.s32 $0xFFFFF830  }
0x2d: {  	[spmem:s3] =	stream.indirect.scatter.add.f32 [tilespmem:s20], [sflag:$0x5], $0x10, s18, s19, $0xb8;
	[tilespmem:$0x10D60] =	vst v63  }
0x2e: {  	s25 =	simm.s32 $0x180  }
0x2f: {  	[tilespmem:s26], [sflag:$0x4] =	stream.indirect.gather [spmem:s4], $0x10, s25, s19, $0xb8;
	[tilespmem:$0x10D60] =	vst v63  }
0x30: {  	_ =	swait.ge [sflag:s16], $0x7D0  }
0x31: {  	[sflag:s16] =	ssyncset.done $0x0  }
0x32: {  	s25 =	simm.s32 $0x5080;
	[sflag:s16] =	ssyncadd.s32 $0xFFFFF830  }
0x33: {  	[spmem:s3] =	stream.indirect.scatter.add.f32 [tilespmem:s22], [sflag:$0x6], $0x10, s25, s19, $0xb8;
	[tilespmem:$0x10D60] =	vst v63  }
0x34: {  	_ =	swait.ge [sflag:s29], $0x7D0  }
0x35: {  	[sflag:s29] =	ssyncset.done $0x0  }
0x36: {  	s25 =	simm.s32 $0x200;
	[sflag:s29] =	ssyncadd.s32 $0xFFFFF830  }
0x37: {  	[tilespmem:s20], [sflag:$0x1] =	stream.indirect.gather [spmem:s4], $0x10, s25, s19, $0xb8;
	[tilespmem:$0x10D60] =	vst v63  }
0x38: {  	_ =	swait.ge [sflag:s31], $0x7D0  }
0x39: {  	[sflag:s31] =	ssyncset.done $0x0  }
0x3a: {  	s25 =	simm.s32 $0x5100;
	[sflag:s31] =	ssyncadd.s32 $0xFFFFF830  }
0x3b: {  	[spmem:s3] =	stream.indirect.scatter.add.f32 [tilespmem:s24], [sflag:$0x7], $0x10, s25, s19, $0xb8;
	[tilespmem:$0x10D60] =	vst v63  }
0x3c: {  	_ =	swait.ge [sflag:s1], $0x7D0  }
0x3d: {  	[sflag:s1] =	ssyncset.done $0x0  }
0x3e: {  	s25 =	simm.s32 $0x280;
	[sflag:s1] =	ssyncadd.s32 $0xFFFFF830  }
0x3f: {  	[tilespmem:s22], [sflag:$0x2] =	stream.indirect.gather [spmem:s4], $0x10, s25, s19, $0xb8;
	[tilespmem:$0x10D60] =	vst v63  }
0x40: {  	_ =	swait.ge [sflag:s17], $0x7D0  }
0x41: {  	[sflag:s17] =	ssyncset.done $0x0  }
0x42: {  	s25 =	simm.s32 $0x5180;
	[sflag:s17] =	ssyncadd.s32 $0xFFFFF830  }
0x43: {  	[spmem:s3] =	stream.indirect.scatter.add.f32 [tilespmem:s26], [sflag:$0x8], $0x10, s25, s19, $0xb8;
	[tilespmem:$0x10D60] =	vst v63  }
0x44: {  	_ =	swait.ge [sflag:s23], $0x7D0  }
0x45: {  	[sflag:s23] =	ssyncset.done $0x0  }
0x46: {  	s25 =	simm.s32 $0x300;
	[sflag:s23] =	ssyncadd.s32 $0xFFFFF830  }
0x47: {  	[tilespmem:s24], [sflag:$0x3] =	stream.indirect.gather [spmem:s4], $0x10, s25, s19, $0xb8;
	[tilespmem:$0x10D60] =	vst v63  }
0x48: {  	_ =	swait.ge [sflag:s15], $0x7D0  }
0x49: {  	[sflag:s15] =	ssyncset.done $0x0  }
0x4a: {  	s25 =	simm.s32 $0x5200;
	[sflag:s15] =	ssyncadd.s32 $0xFFFFF830  }
0x4b: {  	[spmem:s3] =	stream.indirect.scatter.add.f32 [tilespmem:s20], [sflag:$0x5], $0x10, s25, s19, $0xb8;
	[tilespmem:$0x10D60] =	vst v63  }
0x4c: {  	_ =	swait.ge [sflag:s30], $0x7D0  }
0x4d: {  	[sflag:s30] =	ssyncset.done $0x0  }
0x4e: {  	s25 =	simm.s32 $0x380;
	[sflag:s30] =	ssyncadd.s32 $0xFFFFF830  }
0x4f: {  	[tilespmem:s26], [sflag:$0x4] =	stream.indirect.gather [spmem:s4], $0x10, s25, s19, $0xb8;
	[tilespmem:$0x10D60] =	vst v63  }
0x50: {  	_ =	swait.ge [sflag:s16], $0x7D0  }
0x51: {  	[sflag:s16] =	ssyncset.done $0x0  }
0x52: {  	[sflag:s16] =	ssyncadd.s32 $0xFFFFF830  }
0x53: {  	[spmem:s3] =	stream.indirect.scatter.add.f32 [tilespmem:s22], [sflag:$0x6], $0x10, s2, s19, $0xb8;
	[tilespmem:$0x10D60] =	vst v63  }
0x54: {  	_ =	swait.ge [sflag:s29], $0x7D0  }
0x55: {  	[sflag:s29] =	ssyncset.done $0x0  }
0x56: {  	s25 =	simm.s32 $0x400;
	[sflag:s29] =	ssyncadd.s32 $0xFFFFF830  }
0x57: {  	[tilespmem:s20], [sflag:$0x1] =	stream.indirect.gather [spmem:s4], $0x10, s25, s19, $0xb8;
	[tilespmem:$0x10D60] =	vst v63  }
0x58: {  	_ =	swait.ge [sflag:s31], $0x7D0  }
0x59: {  	[sflag:s31] =	ssyncset.done $0x0  }
0x5a: {  	s0 =	simm.s32 $0x5300;
	[sflag:s31] =	ssyncadd.s32 $0xFFFFF830  }
0x5b: {  	[spmem:s3] =	stream.indirect.scatter.add.f32 [tilespmem:s24], [sflag:$0x7], $0x10, s0, s19, $0xb8;
	[tilespmem:$0x10D60] =	vst v63  }
0x5c: {  	_ =	swait.ge [sflag:s1], $0x7D0  }
0x5d: {  	[sflag:s1] =	ssyncset.done $0x0  }
0x5e: {  	s0 =	simm.s32 $0x480;
	[sflag:s1] =	ssyncadd.s32 $0xFFFFF830  }
0x5f: {  	[tilespmem:s22], [sflag:$0x2] =	stream.indirect.gather [spmem:s4], $0x10, s0, s19, $0xb8;
	[tilespmem:$0x10D60] =	vst v63  }
0x60: {  	_ =	swait.ge [sflag:s17], $0x7D0  }
0x61: {  	[sflag:s17] =	ssyncset.done $0x0  }
0x62: {  	s0 =	simm.s32 $0x5380;
	[sflag:s17] =	ssyncadd.s32 $0xFFFFF830  }
0x63: {  	[spmem:s3] =	stream.indirect.scatter.add.f32 [tilespmem:s26], [sflag:$0x8], $0x10, s0, s19, $0xb8;
	[tilespmem:$0x10D60] =	vst v63  }
0x64: {  	_ =	swait.ge [sflag:s23], $0x7D0  }
0x65: {  	[sflag:s23] =	ssyncset.done $0x0  }
0x66: {  	s0 =	simm.s32 $0x500;
	[sflag:s23] =	ssyncadd.s32 $0xFFFFF830  }
0x67: {  	[tilespmem:s24], [sflag:$0x3] =	stream.indirect.gather [spmem:s4], $0x10, s0, s19, $0xb8;
	[tilespmem:$0x10D60] =	vst v63  }
0x68: {  	_ =	swait.ge [sflag:s15], $0x7D0  }
0x69: {  	[sflag:s15] =	ssyncset.done $0x0  }
0x6a: {  	s0 =	simm.s32 $0x5400;
	[sflag:s15] =	ssyncadd.s32 $0xFFFFF830  }
0x6b: {  	[spmem:s3] =	stream.indirect.scatter.add.f32 [tilespmem:s20], [sflag:$0x5], $0x10, s0, s19, $0xb8;
	[tilespmem:$0x10D60] =	vst v63  }
0x6c: {  	_ =	swait.ge [sflag:s30], $0x7D0  }
0x6d: {  	[sflag:s30] =	ssyncset.done $0x0  }
0x6e: {  	s0 =	simm.s32 $0x580;
	[sflag:s30] =	ssyncadd.s32 $0xFFFFF830  }
0x6f: {  	[tilespmem:s26], [sflag:$0x4] =	stream.indirect.gather [spmem:s4], $0x10, s0, s19, $0xb8;
	[tilespmem:$0x10D60] =	vst v63  }
0x70: {  	_ =	swait.ge [sflag:s16], $0x7D0  }
0x71: {  	[sflag:s16] =	ssyncset.done $0x0  }
0x72: {  	s28 =	simm.s32 $0x5480;
	s25 =	simm.s32 $0x800;
	[sflag:s16] =	ssyncadd.s32 $0xFFFFF830  }
.LBB2_2:
0x73: {  	[spmem:s3] =	stream.indirect.scatter.add.f32 [tilespmem:s22], [sflag:$0x6], $0x10, s28, s19, $0xb8;
	[tilespmem:$0x10D60] =	vst v63  }
0x74: {  	s28 =	smov.u32 s25;
	s25 =	sadd.s32 $0x800, s25;
	_ =	swait.ge [sflag:s29], $0x7D0  }
0x75: {  	s28 =	sshra.s32 s28, $0x2;
	p0 =	sne.s32 s25, $0x13000;
	[sflag:s29] =	ssyncset.done $0x0  }
0x76: {  	s0 =	sadd.s32 $0x400, s28;
	[sflag:s29] =	ssyncadd.s32 $0xFFFFF830  }
0x77: {  	[tilespmem:s20], [sflag:$0x1] =	stream.indirect.gather [spmem:s4], $0x10, s0, s19, $0xb8;
	[tilespmem:$0x10D60] =	vst v63  }
0x78: {  	_ =	swait.ge [sflag:s31], $0x7D0  }
0x79: {  	[sflag:s31] =	ssyncset.done $0x0  }
0x7a: {  	s0 =	sadd.s32 $0x5300, s28;
	[sflag:s31] =	ssyncadd.s32 $0xFFFFF830  }
0x7b: {  	[spmem:s3] =	stream.indirect.scatter.add.f32 [tilespmem:s24], [sflag:$0x7], $0x10, s0, s19, $0xb8;
	[tilespmem:$0x10D60] =	vst v63  }
0x7c: {  	_ =	swait.ge [sflag:s1], $0x7D0  }
0x7d: {  	[sflag:s1] =	ssyncset.done $0x0  }
0x7e: {  	s0 =	sadd.s32 $0x480, s28;
	[sflag:s1] =	ssyncadd.s32 $0xFFFFF830  }
0x7f: {  	[tilespmem:s22], [sflag:$0x2] =	stream.indirect.gather [spmem:s4], $0x10, s0, s19, $0xb8;
	[tilespmem:$0x10D60] =	vst v63  }
0x80: {  	_ =	swait.ge [sflag:s17], $0x7D0  }
0x81: {  	[sflag:s17] =	ssyncset.done $0x0  }
0x82: {  	s0 =	sadd.s32 $0x5380, s28;
	[sflag:s17] =	ssyncadd.s32 $0xFFFFF830  }
0x83: {  	[spmem:s3] =	stream.indirect.scatter.add.f32 [tilespmem:s26], [sflag:$0x8], $0x10, s0, s19, $0xb8;
	[tilespmem:$0x10D60] =	vst v63  }
0x84: {  	_ =	swait.ge [sflag:s23], $0x7D0  }
0x85: {  	[sflag:s23] =	ssyncset.done $0x0  }
0x86: {  	s0 =	sadd.s32 $0x500, s28;
	[sflag:s23] =	ssyncadd.s32 $0xFFFFF830  }
0x87: {  	[tilespmem:s24], [sflag:$0x3] =	stream.indirect.gather [spmem:s4], $0x10, s0, s19, $0xb8;
	[tilespmem:$0x10D60] =	vst v63  }
0x88: {  	_ =	swait.ge [sflag:s15], $0x7D0  }
0x89: {  	[sflag:s15] =	ssyncset.done $0x0  }
0x8a: {  	s0 =	sadd.s32 $0x5400, s28;
	[sflag:s15] =	ssyncadd.s32 $0xFFFFF830  }
0x8b: {  	[spmem:s3] =	stream.indirect.scatter.add.f32 [tilespmem:s20], [sflag:$0x5], $0x10, s0, s19, $0xb8;
	[tilespmem:$0x10D60] =	vst v63  }
0x8c: {  	_ =	swait.ge [sflag:s30], $0x7D0  }
0x8d: {  	[sflag:s30] =	ssyncset.done $0x0  }
.Ltmp0:
0x8e: {  	s0 =	sadd.s32 $0x580, s28;
	[sflag:s30] =	ssyncadd.s32 $0xFFFFF830;
	(pc) =	sbr.rel @p0 .LBB2_2-.Ltmp0, $4  }
0x8f: {  	[tilespmem:s26], [sflag:$0x4] =	stream.indirect.gather [spmem:s4], $0x10, s0, s19, $0xb8;
	[tilespmem:$0x10D60] =	vst v63  }
0x90: {  	_ =	swait.ge [sflag:s16], $0x7D0  }
0x91: {  	[sflag:s16] =	ssyncset.done $0x0  }
0x92: {  	s28 =	sadd.s32 $0x5480, s28;
	[sflag:s16] =	ssyncadd.s32 $0xFFFFF830  }
0x93: {  	[spmem:s3] =	stream.indirect.scatter.add.f32 [tilespmem:s22], [sflag:$0x6], $0x10, s28, s19, $0xb8;
	[tilespmem:$0x10D60] =	vst v63  }
0x94: {  	_ =	swait.ge [sflag:s31], $0x7D0  }
0x95: {  	s0 =	sshra.s32 s25, $0x2;
	[sflag:s31] =	ssyncset.done $0x0  }
0x96: {  	s25 =	sadd.s32 $0x5300, s0;
	[sflag:s31] =	ssyncadd.s32 $0xFFFFF830  }
0x97: {  	[spmem:s3] =	stream.indirect.scatter.add.f32 [tilespmem:s24], [sflag:$0x7], $0x10, s25, s19, $0xb8;
	[tilespmem:$0x10D60] =	vst v63  }
0x98: {  	_ =	swait.ge [sflag:s17], $0x7D0  }
0x99: {  	[sflag:s17] =	ssyncset.done $0x0  }
0x9a: {  	s0 =	sadd.s32 $0x5380, s0;
	[sflag:s17] =	ssyncadd.s32 $0xFFFFF830  }
0x9b: {  	[spmem:s3] =	stream.indirect.scatter.add.f32 [tilespmem:s26], [sflag:$0x8], $0x10, s0, s19, $0xb8;
	[tilespmem:$0x10D60] =	vst v63  }
0x9c: {  	_ =	swait.ge [sflag:s29], $0x7D0  }
0x9d: {  	[sflag:s29] =	ssyncset.done $0x0  }
0x9e: {  	[sflag:s29] =	ssyncadd.s32 $0xFFFFF830  }
0x9f: {  	_ =	swait.ge [sflag:s1], $0x7D0  }
0xa0: {  	[sflag:s1] =	ssyncset.done $0x0  }
0xa1: {  	[sflag:s1] =	ssyncadd.s32 $0xFFFFF830  }
0xa2: {  	_ =	swait.ge [sflag:s23], $0x7D0  }
0xa3: {  	[sflag:s23] =	ssyncset.done $0x0  }
0xa4: {  	[sflag:s23] =	ssyncadd.s32 $0xFFFFF830  }
0xa5: {  	_ =	swait.ge [sflag:s30], $0x7D0  }
0xa6: {  	s21 =	sadd.s32 $0x1, s21;
	[sflag:s30] =	ssyncset.done $0x0  }
0xa7: {  	p0 =	sne.s32 s21, s11;
	[sflag:s30] =	ssyncadd.s32 $0xFFFFF830  }
.Ltmp1:
0xa8: {  	[bflag:$0x0] =	sbarrier.arrive $0xFFFF;
	(pc) =	sbr.rel @p0 .LBB2_1-.Ltmp1, $4  }
0xa9: {  	[hbm:s10@s17], [sflag:s6] =	dma.strided [spmem:s12@s16], $0x4E2, s15, $0x2   }
0xaa: {  	_ =	swait.ge [sflag:s13], $0x4E2  }
0xab: {  	[sflag:s13] =	ssyncset.done $0x0  }
0xac: {  	[sflag:s13] =	ssyncadd.s32 $0xFFFFFB1E  }
0xad: {  	_ =	sfence.sel $0x180000  }
0xae: {  	[bflag:$0x0] =	sbarrier.arrive $0xFFFF  }
0xaf: {  	_ =	strace $0x90000047  }
0xb0: {  	s0 =	stileid.u32;
	[bflag:$0x2] =	sbarrier.arrive $0xFFFF  }
0xb1: {  	p0 =	sne.s32 s0, $0x0;
	s0 =	rddreg [dreg:$0x4]  }
0xb2: {  	s0 =	sadd.s32 @!p0 $0x100000, s0  }
0xb3: {  	[sflag:s0] =	ssyncadd.tile.s32 @!p0 $0x1;
	_ =	shalt  }
.Lfunc_end2:
_tile_overlayer_lowered:
.L_overlay_start_2:
0xb4: {  	(tag) =	ssettag $0x2  }
0xb5: {  	s0 =	rddreg [dreg:$0x0];
	s2 =	stileid.u32  }
0xb6: {  	s1 =	rddreg [dreg:$0x1];
	p0 =	sne.s32 s2, $0x0  }
0xb7: {  	s3 =	rddreg [dreg:$0x2];
	[bflag:$0x3] =	sbarrier.arrive $0xFFFF;
	s2 =	simm.s32 @!p0 $0x1C09  }
0xb8: {  	[timem:s3], [sflag:s2] =	dma.local @!p0 [hbm:s0], s1  }
0xb9: {  	s0 =	simm.s32 @!p0 $0x9  }
0xba: {  	_ =	swait.ge @!p0 [sflag:s0], s1  }
0xbb: {  	s1 =	ssub.s32 @!p0 $0x0, s1;
	[sflag:s0] =	ssyncset.done @!p0 $0x0  }
0xbc: {  	[sflag:s0] =	ssyncadd.s32 @!p0 s1  }
0xbd: {  	[bflag:$0x3] =	sbarrier.arrive $0xFFFF  }
0xbe: {  	_ =	shalt  }

</sc_bundles>
